<compile_context>
chip_gen: v7x
topology: tpu7x:2x2x1
jax: 0.10.2.dev20260603
libtpu: 0.0.44.dev20260713+nightly
codegen_flags: <defaults>
</compile_context>

<pallas_src>
import functools

import jax
import jax.numpy as jnp
from jax import lax
from jax.experimental import pallas as pl
from jax.experimental.pallas import tpu as pltpu
from jax.experimental.pallas import tpu_sc as plsc

_N = 10000
_E = 320000
_D = 128
_F = _D // 2

_CH = 128
_NCHUNK = 157
_EPT = _CH * _NCHUNK
_EPAD = 16 * _EPT
_WB = 200
_NWB = _N // _WB


def _matmul(x, W):
    def mm(x_ref, w_ref, o_ref):
        o_ref[...] = jnp.dot(x_ref[...], w_ref[...],
                             preferred_element_type=jnp.float32)

    return pl.pallas_call(
        mm,
        grid=(_N // 400,),
        in_specs=[
            pl.BlockSpec((400, _D), lambda i: (i, 0)),
            pl.BlockSpec((_D, _D), lambda i: (0, 0)),
        ],
        out_specs=pl.BlockSpec((400, _D), lambda i: (i, 0)),
        out_shape=jax.ShapeDtypeStruct((_N, _D), jnp.float32),
    )(x, W)


def _sc_aggregate(h, src, dst, wexp):
    mesh = plsc.VectorSubcoreMesh(core_axis_name="c", subcore_axis_name="s")

    @functools.partial(
        pl.kernel,
        out_type=jax.ShapeDtypeStruct((_N, 2, _F), jnp.float32),
        mesh=mesh,
        scratch_types=[
            pltpu.VMEM((_NCHUNK, _CH), jnp.int32),
            pltpu.VMEM((1, _CH), jnp.int32),
            pltpu.VMEM((_CH, 16), jnp.float32),
            pltpu.VMEM((_CH, _F), jnp.float32),
            pltpu.VMEM((_WB, _F), jnp.float32),
            pltpu.VMEM_SHARED((_N, _F), jnp.float32),
            pltpu.VMEM_SHARED((_N, _F), jnp.float32),
            pltpu.SemaphoreType.DMA,
        ],
        compiler_params=pltpu.CompilerParams(use_tc_tiling_on_sc=False),
    )
    def k(h_hbm, src_hbm, dst_hbm, w_hbm, out_hbm,
          src_v, dst_v, wexp_v, rows_v, z_v, acc, h_sp, sem):
        c = lax.axis_index("c")
        s = lax.axis_index("s")

        pltpu.sync_copy(src_hbm.at[s], src_v)

        zero16 = jnp.zeros((16,), jnp.float32)
        n_my_chunks = (_NWB - s + 15) // 16

        def zfill(j, carry):
            for d_ in range(_F // 16):
                z_v[j, pl.ds(d_ * 16, 16)] = zero16
            return carry

        lax.fori_loop(0, _WB, zfill, 0)

        def zcopy(i, carry):
            r0 = (s + 16 * i) * _WB
            pltpu.sync_copy(
                h_hbm.at[pl.ds(r0, _WB), pl.ds(c * _F, _F)],
                h_sp.at[pl.ds(r0, _WB)])
            pltpu.sync_copy(z_v, acc.at[pl.ds(r0, _WB)])
            return carry

        lax.fori_loop(0, n_my_chunks, zcopy, 0)

        plsc.subcore_barrier()

        def chunk(i, carry):
            cp = pltpu.async_copy(h_sp.at[src_v.at[i]], rows_v, sem)
            pltpu.sync_copy(w_hbm.at[s, i], wexp_v)
            pltpu.sync_copy(dst_hbm.at[s, i], dst_v.at[0])
            cp.wait()

            def scale(j, c2):
                wvec = wexp_v[j]
                for d_ in range(_F // 16):
                    sl = pl.ds(d_ * 16, 16)
                    rows_v[j, sl] = rows_v[j, sl] * wvec
                return c2

            lax.fori_loop(0, _CH, scale, 0)
            pltpu.sync_copy(rows_v, acc.at[dst_v.at[0]], add=True)
            return carry

        lax.fori_loop(0, _NCHUNK, chunk, 0)

        plsc.subcore_barrier()

        def wb(i, carry):
            r0 = (s + 16 * i) * _WB
            pltpu.sync_copy(acc.at[pl.ds(r0, _WB)], z_v)

            def rl(j, c2):
                for d_ in range(_F // 16):
                    sl = pl.ds(d_ * 16, 16)
                    z_v[j, sl] = jnp.maximum(z_v[j, sl], 0.0)
                return c2

            lax.fori_loop(0, _WB, rl, 0)
            pltpu.sync_copy(z_v, out_hbm.at[pl.ds(r0, _WB), c])
            return carry

        lax.fori_loop(0, n_my_chunks, wb, 0)

    return k(h, src, dst, wexp)


def kernel(x, edge_index, edge_weight, W):
    h = _matmul(x, W)
    pad = _EPAD - _E
    src = jnp.pad(edge_index[1], (0, pad)).reshape(16, _NCHUNK, _CH)
    dst = jnp.pad(edge_index[0], (0, pad)).reshape(16, _NCHUNK, _CH)
    wexp = jnp.broadcast_to(
        jnp.pad(edge_weight, (0, pad))[:, None], (_EPAD, 16)
    ).reshape(16, _NCHUNK, _CH, 16)
    out = _sc_aggregate(h, src, dst, wexp)
    return out.reshape(_N, _D)

# --- scband reference (transcript-rebuilt; emitter-appended) ---
"""Pipeline reference for scband-gcnlayer-6038724019025 (READ-ONLY COPY).

The authoritative reference and input builder live on the scoring server;
editing this copy changes nothing except your own understanding.
"""

import jax, jax.numpy as jnp
import numpy as np

N = 10000
E = 320000
D_IN = 128
D_OUT = 128


def setup_inputs(seed: int = 0) -> dict:
    key = jax.random.key(seed)
    k1, k2, k3, k4 = jax.random.split(key, 4)
    x = jax.random.normal(k1, (N, D_IN), dtype=jnp.float32)
    edge_index = jax.random.randint(k2, (2, E), 0, N, dtype=jnp.int32)
    edge_weight = jax.random.uniform(k3, (E,), dtype=jnp.float32)
    # xavier_uniform init for weights [D_IN, D_OUT]
    limit = float(np.sqrt(6.0 / (D_IN + D_OUT)))
    W = jax.random.uniform(k4, (D_IN, D_OUT), minval=-limit, maxval=limit, dtype=jnp.float32)
    return {"x": x, "edge_index": edge_index, "edge_weight": edge_weight, "W": W}


def reference(x, edge_index, edge_weight, W):
    # dropout with p=0.0 is identity
    h = x @ W  # dense mm: [N, D_IN] @ [D_IN, D_OUT]
    dst = edge_index[0]  # row indices of sparse adj
    src = edge_index[1]  # col indices of sparse adj
    # sparse.mm(adj, h): out[dst] += adj_val * h[src]
    msgs = edge_weight[:, None] * jnp.take(h, src, axis=0)
    out = jax.ops.segment_sum(msgs, dst, num_segments=N)
    return jax.nn.relu(out)

if __name__ == "__main__":
    import jax
    _d = setup_inputs()
    print(jax.jit(kernel)(*tuple(_d.values())))

</pallas_src>

<mosaic_0001>
#map = affine_map<(d0, d1) -> (0, 0)>
#map1 = affine_map<(d0, d1) -> (0, 0, 0)>
#map2 = affine_map<(d0, d1) -> (0, 0, 0, 0)>
module attributes {stable_mosaic.version = 14 : i64} {
  func.func @k(%arg0: i32, %arg1: i32, %arg2: memref<10000x128xf32, #tpu.memory_space<hbm>>, %arg3: memref<16x157x128xi32, #tpu.memory_space<hbm>>, %arg4: memref<16x157x128xi32, #tpu.memory_space<hbm>>, %arg5: memref<16x157x128x16xf32, #tpu.memory_space<hbm>>, %arg6: memref<10000x2x64xf32, #tpu.memory_space<hbm>>, %arg7: memref<157x128xi32, #tpu.memory_space<vmem>>, %arg8: memref<1x128xi32, #tpu.memory_space<vmem>>, %arg9: memref<128x16xf32, #tpu.memory_space<vmem>>, %arg10: memref<128x64xf32, #tpu.memory_space<vmem>>, %arg11: memref<200x64xf32, #tpu.memory_space<vmem>>, %arg12: memref<10000x64xf32, #tpu.memory_space<vmem_shared>>, %arg13: memref<10000x64xf32, #tpu.memory_space<vmem_shared>>, %arg14: memref<!tpu.dma_semaphore, #tpu.memory_space<semaphore_mem>>) attributes {dimension_semantics = [#tpu.dimension_semantics<core_parallel>, #tpu.dimension_semantics<subcore_parallel>], iteration_bounds = array<i64: 2, 16>, scalar_prefetch = 0 : i64, scratch_operands = 8 : i64, tpu.core_type = #tpu.core_type<sc_vector_subcore>, window_params = [{transform_indices = #map}, {transform_indices = #map1}, {transform_indices = #map1}, {transform_indices = #map2}, {transform_indices = #map1}]} {
    "tpu.region"() ({
      %run_scoped3A = tpu.sem_alloc : memref<!tpu.dma_semaphore, #tpu.memory_space<semaphore_mem>>
      %dma_start3A = arith.constant 0 : i32
      %dma_start3A_51 = arith.constant 0 : i32
      %dma_start3A_52 = tpu.memref_slice %arg3[%arg1, %dma_start3A, %dma_start3A_51] : memref<16x157x128xi32, #tpu.memory_space<hbm>> -> memref<1x157x128xi32, #tpu.memory_space<hbm>>
      %dma_start3A_53 = tpu.memref_squeeze %dma_start3A_52 : memref<1x157x128xi32, #tpu.memory_space<hbm>> -> memref<157x128xi32, #tpu.memory_space<hbm>>
      %dma_start3A_54 = arith.constant 0 : i32
      %dma_start3A_55 = arith.constant 0 : i32
      %dma_start3A_56 = tpu.memref_slice %arg3[%arg1, %dma_start3A_54, %dma_start3A_55] : memref<16x157x128xi32, #tpu.memory_space<hbm>> -> memref<1x157x128xi32, #tpu.memory_space<hbm>>
      %dma_start3A_57 = tpu.memref_squeeze %dma_start3A_56 : memref<1x157x128xi32, #tpu.memory_space<hbm>> -> memref<157x128xi32, #tpu.memory_space<hbm>>
      tpu.enqueue_dma source(%dma_start3A_57 : memref<157x128xi32, #tpu.memory_space<hbm>>) target(%arg7 : memref<157x128xi32, #tpu.memory_space<vmem>>) target_semaphore(%run_scoped3A : memref<!tpu.dma_semaphore, #tpu.memory_space<semaphore_mem>>)
      %dma_wait3A = arith.constant 0 : i32
      %dma_wait3A_58 = arith.constant 0 : i32
      %dma_wait3A_59 = tpu.memref_slice %arg3[%arg1, %dma_wait3A, %dma_wait3A_58] : memref<16x157x128xi32, #tpu.memory_space<hbm>> -> memref<1x157x128xi32, #tpu.memory_space<hbm>>
      %dma_wait3A_60 = tpu.memref_squeeze %dma_wait3A_59 : memref<1x157x128xi32, #tpu.memory_space<hbm>> -> memref<157x128xi32, #tpu.memory_space<hbm>>
      %dma_wait3A_61 = arith.constant 0 : i32
      %dma_wait3A_62 = arith.constant 0 : i32
      %dma_wait3A_63 = tpu.memref_slice %arg3[%arg1, %dma_wait3A_61, %dma_wait3A_62] : memref<16x157x128xi32, #tpu.memory_space<hbm>> -> memref<1x157x128xi32, #tpu.memory_space<hbm>>
      %dma_wait3A_64 = tpu.memref_squeeze %dma_wait3A_63 : memref<1x157x128xi32, #tpu.memory_space<hbm>> -> memref<157x128xi32, #tpu.memory_space<hbm>>
      tpu.wait_dma2 semaphore(%run_scoped3A : memref<!tpu.dma_semaphore, #tpu.memory_space<semaphore_mem>>) src(%dma_wait3A_64 : memref<157x128xi32, #tpu.memory_space<hbm>>) dst(%arg7 : memref<157x128xi32, #tpu.memory_space<vmem>>)
      tpu.yield
    }) : () -> ()
    %broadcast_in_dim3A = arith.constant 0.000000e+00 : f32
    %broadcast_in_dim3A_0 = vector.broadcast %broadcast_in_dim3A : f32 to vector<16xf32>
    %sub3A = arith.constant 50 : i32
    %sub3A_1 = arith.subi %sub3A, %arg1 : i32
    %add3A = arith.constant 15 : i32
    %add3A_2 = arith.addi %sub3A_1, %add3A : i32
    %jit3A = arith.constant 16 : i32
    %div3A = arith.divsi %add3A_2, %jit3A : i32
    %sign3A = arith.constant 0 : i32
    %sign3A_3 = arith.cmpi sgt, %add3A_2, %sign3A : i32
    %sign3A_4 = arith.extui %sign3A_3 : i1 to i32
    %sign3A_5 = arith.constant 0 : i32
    %sign3A_6 = arith.cmpi slt, %add3A_2, %sign3A_5 : i32
    %sign3A_7 = arith.extui %sign3A_6 : i1 to i32
    %sign3A_8 = arith.subi %sign3A_4, %sign3A_7 : i32
    %sign3A_9 = arith.constant 0 : i32
    %sign3A_10 = arith.cmpi sgt, %jit3A, %sign3A_9 : i32
    %sign3A_11 = arith.extui %sign3A_10 : i1 to i32
    %sign3A_12 = arith.constant 0 : i32
    %sign3A_13 = arith.cmpi slt, %jit3A, %sign3A_12 : i32
    %sign3A_14 = arith.extui %sign3A_13 : i1 to i32
    %sign3A_15 = arith.subi %sign3A_11, %sign3A_14 : i32
    %ne3A = arith.cmpi ne, %sign3A_8, %sign3A_15 : i32
    %rem3A = arith.remsi %add3A_2, %jit3A : i32
    %ne3A_16 = arith.constant 0 : i32
    %ne3A_17 = arith.cmpi ne, %rem3A, %ne3A_16 : i32
    %and3A = arith.andi %ne3A, %ne3A_17 : i1
    %sub3A_18 = arith.constant 1 : i32
    %sub3A_19 = arith.subi %div3A, %sub3A_18 : i32
    %select_n3A = arith.select %and3A, %sub3A_19, %div3A : i32
    %scan3A = arith.constant 0 : i32
    %scan3A_20 = arith.constant 0 : i32
    %scan3A_21 = arith.constant 200 : i32
    %scan3A_22 = arith.addi %scan3A_20, %scan3A_21 : i32
    %scan3A_23 = arith.constant 1 : i32
    scf.for %scan3A_51 = %scan3A_20 to %scan3A_22 step %scan3A_23  : i32 {
      %swap3A = arith.index_cast %scan3A_51 : i32 to index
      %swap3A_52 = arith.constant 0 : index
      %swap3A_53 = tpu.vector_load %arg11[%swap3A, %swap3A_52] {strides = array<i32>} : memref<200x64xf32, #tpu.memory_space<vmem>>, vector<1x16xf32>,
      %swap3A_54 = vector.shape_cast %swap3A_53 : vector<1x16xf32> to vector<16xf32>
      %swap3A_55 = vector.shape_cast %broadcast_in_dim3A_0 : vector<16xf32> to vector<1x16xf32>
      tpu.vector_store %arg11[%swap3A, %swap3A_52], %swap3A_55 {strides = array<i32>} : memref<200x64xf32, #tpu.memory_space<vmem>>, vector<1x16xf32>,
      %swap3A_56 = arith.index_cast %scan3A_51 : i32 to index
      %swap3A_57 = arith.constant 16 : index
      %swap3A_58 = tpu.vector_load %arg11[%swap3A_56, %swap3A_57] {strides = array<i32>} : memref<200x64xf32, #tpu.memory_space<vmem>>, vector<1x16xf32>,
      %swap3A_59 = vector.shape_cast %swap3A_58 : vector<1x16xf32> to vector<16xf32>
      %swap3A_60 = vector.shape_cast %broadcast_in_dim3A_0 : vector<16xf32> to vector<1x16xf32>
      tpu.vector_store %arg11[%swap3A_56, %swap3A_57], %swap3A_60 {strides = array<i32>} : memref<200x64xf32, #tpu.memory_space<vmem>>, vector<1x16xf32>,
      %swap3A_61 = arith.index_cast %scan3A_51 : i32 to index
      %swap3A_62 = arith.constant 32 : index
      %swap3A_63 = tpu.vector_load %arg11[%swap3A_61, %swap3A_62] {strides = array<i32>} : memref<200x64xf32, #tpu.memory_space<vmem>>, vector<1x16xf32>,
      %swap3A_64 = vector.shape_cast %swap3A_63 : vector<1x16xf32> to vector<16xf32>
      %swap3A_65 = vector.shape_cast %broadcast_in_dim3A_0 : vector<16xf32> to vector<1x16xf32>
      tpu.vector_store %arg11[%swap3A_61, %swap3A_62], %swap3A_65 {strides = array<i32>} : memref<200x64xf32, #tpu.memory_space<vmem>>, vector<1x16xf32>,
      %swap3A_66 = arith.index_cast %scan3A_51 : i32 to index
      %swap3A_67 = arith.constant 48 : index
      %swap3A_68 = tpu.vector_load %arg11[%swap3A_66, %swap3A_67] {strides = array<i32>} : memref<200x64xf32, #tpu.memory_space<vmem>>, vector<1x16xf32>,
      %swap3A_69 = vector.shape_cast %swap3A_68 : vector<1x16xf32> to vector<16xf32>
      %swap3A_70 = vector.shape_cast %broadcast_in_dim3A_0 : vector<16xf32> to vector<1x16xf32>
      tpu.vector_store %arg11[%swap3A_66, %swap3A_67], %swap3A_70 {strides = array<i32>} : memref<200x64xf32, #tpu.memory_space<vmem>>, vector<1x16xf32>,
    }
    %scan3A_24 = arith.constant 200 : i32
    %while3A = arith.constant 0 : i32
    %while3A_25 = arith.constant 0 : i32
    %while3A_26 = arith.subi %select_n3A, %while3A_25 : i32
    %while3A_27 = arith.addi %while3A_25, %while3A_26 : i32
    %while3A_28 = arith.constant 1 : i32
    %while3A_29 = arith.divsi %while3A_26, %while3A_28 : i32
    %while3A_30 = arith.muli %while3A_29, %while3A_28 : i32
    %while3A_31 = arith.addi %while3A_25, %while3A_30 : i32
    %while3A_32 = arith.constant 1 : i32
    scf.for %while3A_51 = %while3A_25 to %while3A_31 step %while3A_32  : i32 {
      %mul3A = arith.constant 16 : i32
      %mul3A_52 = arith.muli %mul3A, %while3A_51 : i32
      %add3A_53 = arith.addi %arg1, %mul3A_52 : i32
      %mul3A_54 = arith.constant 200 : i32
      %mul3A_55 = arith.muli %add3A_53, %mul3A_54 : i32
      %mul3A_56 = arith.constant 64 : i32
      %mul3A_57 = arith.muli %arg0, %mul3A_56 : i32
      "tpu.region"() ({
        %run_scoped3A = tpu.sem_alloc : memref<!tpu.dma_semaphore, #tpu.memory_space<semaphore_mem>>
        %dma_start3A = arith.constant 0 : i32
        %dma_start3A_58 = tpu.memref_slice %arg13[%mul3A_55, %dma_start3A] : memref<10000x64xf32, #tpu.memory_space<vmem_shared>> -> memref<200x64xf32, #tpu.memory_space<vmem_shared>>
        %dma_start3A_59 = tpu.memref_slice %arg2[%mul3A_55, %mul3A_57] : memref<10000x128xf32, #tpu.memory_space<hbm>> -> memref<200x64xf32, #tpu.memory_space<hbm>>
        tpu.enqueue_dma source(%dma_start3A_59 : memref<200x64xf32, #tpu.memory_space<hbm>>) target(%dma_start3A_58 : memref<200x64xf32, #tpu.memory_space<vmem_shared>>) target_semaphore(%run_scoped3A : memref<!tpu.dma_semaphore, #tpu.memory_space<semaphore_mem>>)
        %dma_wait3A = arith.constant 0 : i32
        %dma_wait3A_60 = tpu.memref_slice %arg13[%mul3A_55, %dma_wait3A] : memref<10000x64xf32, #tpu.memory_space<vmem_shared>> -> memref<200x64xf32, #tpu.memory_space<vmem_shared>>
        %dma_wait3A_61 = tpu.memref_slice %arg2[%mul3A_55, %mul3A_57] : memref<10000x128xf32, #tpu.memory_space<hbm>> -> memref<200x64xf32, #tpu.memory_space<hbm>>
        tpu.wait_dma2 semaphore(%run_scoped3A : memref<!tpu.dma_semaphore, #tpu.memory_space<semaphore_mem>>) src(%dma_wait3A_61 : memref<200x64xf32, #tpu.memory_space<hbm>>) dst(%dma_wait3A_60 : memref<200x64xf32, #tpu.memory_space<vmem_shared>>)
        tpu.yield
      }) : () -> ()
      "tpu.region"() ({
        %run_scoped3A = tpu.sem_alloc : memref<!tpu.dma_semaphore, #tpu.memory_space<semaphore_mem>>
        %dma_start3A = arith.constant 0 : i32
        %dma_start3A_58 = tpu.memref_slice %arg12[%mul3A_55, %dma_start3A] : memref<10000x64xf32, #tpu.memory_space<vmem_shared>> -> memref<200x64xf32, #tpu.memory_space<vmem_shared>>
        %dma_start3A_59 = arith.constant 0 : i32
        %dma_start3A_60 = tpu.memref_slice %arg12[%mul3A_55, %dma_start3A_59] : memref<10000x64xf32, #tpu.memory_space<vmem_shared>> -> memref<200x64xf32, #tpu.memory_space<vmem_shared>>
        tpu.enqueue_dma source(%arg11 : memref<200x64xf32, #tpu.memory_space<vmem>>) target(%dma_start3A_60 : memref<200x64xf32, #tpu.memory_space<vmem_shared>>) target_semaphore(%run_scoped3A : memref<!tpu.dma_semaphore, #tpu.memory_space<semaphore_mem>>)
        %dma_wait3A = arith.constant 0 : i32
        %dma_wait3A_61 = tpu.memref_slice %arg12[%mul3A_55, %dma_wait3A] : memref<10000x64xf32, #tpu.memory_space<vmem_shared>> -> memref<200x64xf32, #tpu.memory_space<vmem_shared>>
        %dma_wait3A_62 = arith.constant 0 : i32
        %dma_wait3A_63 = tpu.memref_slice %arg12[%mul3A_55, %dma_wait3A_62] : memref<10000x64xf32, #tpu.memory_space<vmem_shared>> -> memref<200x64xf32, #tpu.memory_space<vmem_shared>>
        tpu.wait_dma2 semaphore(%run_scoped3A : memref<!tpu.dma_semaphore, #tpu.memory_space<semaphore_mem>>) src(%arg11 : memref<200x64xf32, #tpu.memory_space<vmem>>) dst(%dma_wait3A_63 : memref<200x64xf32, #tpu.memory_space<vmem_shared>>)
        tpu.yield
      }) : () -> ()
    }
    %while3A_33 = arith.constant 1 : i32
    scf.for %while3A_51 = %while3A_31 to %while3A_27 step %while3A_33  : i32 {
      %mul3A = arith.constant 16 : i32
      %mul3A_52 = arith.muli %mul3A, %while3A_51 : i32
      %add3A_53 = arith.addi %arg1, %mul3A_52 : i32
      %mul3A_54 = arith.constant 200 : i32
      %mul3A_55 = arith.muli %add3A_53, %mul3A_54 : i32
      %mul3A_56 = arith.constant 64 : i32
      %mul3A_57 = arith.muli %arg0, %mul3A_56 : i32
      "tpu.region"() ({
        %run_scoped3A = tpu.sem_alloc : memref<!tpu.dma_semaphore, #tpu.memory_space<semaphore_mem>>
        %dma_start3A = arith.constant 0 : i32
        %dma_start3A_58 = tpu.memref_slice %arg13[%mul3A_55, %dma_start3A] : memref<10000x64xf32, #tpu.memory_space<vmem_shared>> -> memref<200x64xf32, #tpu.memory_space<vmem_shared>>
        %dma_start3A_59 = tpu.memref_slice %arg2[%mul3A_55, %mul3A_57] : memref<10000x128xf32, #tpu.memory_space<hbm>> -> memref<200x64xf32, #tpu.memory_space<hbm>>
        tpu.enqueue_dma source(%dma_start3A_59 : memref<200x64xf32, #tpu.memory_space<hbm>>) target(%dma_start3A_58 : memref<200x64xf32, #tpu.memory_space<vmem_shared>>) target_semaphore(%run_scoped3A : memref<!tpu.dma_semaphore, #tpu.memory_space<semaphore_mem>>)
        %dma_wait3A = arith.constant 0 : i32
        %dma_wait3A_60 = tpu.memref_slice %arg13[%mul3A_55, %dma_wait3A] : memref<10000x64xf32, #tpu.memory_space<vmem_shared>> -> memref<200x64xf32, #tpu.memory_space<vmem_shared>>
        %dma_wait3A_61 = tpu.memref_slice %arg2[%mul3A_55, %mul3A_57] : memref<10000x128xf32, #tpu.memory_space<hbm>> -> memref<200x64xf32, #tpu.memory_space<hbm>>
        tpu.wait_dma2 semaphore(%run_scoped3A : memref<!tpu.dma_semaphore, #tpu.memory_space<semaphore_mem>>) src(%dma_wait3A_61 : memref<200x64xf32, #tpu.memory_space<hbm>>) dst(%dma_wait3A_60 : memref<200x64xf32, #tpu.memory_space<vmem_shared>>)
        tpu.yield
      }) : () -> ()
      "tpu.region"() ({
        %run_scoped3A = tpu.sem_alloc : memref<!tpu.dma_semaphore, #tpu.memory_space<semaphore_mem>>
        %dma_start3A = arith.constant 0 : i32
        %dma_start3A_58 = tpu.memref_slice %arg12[%mul3A_55, %dma_start3A] : memref<10000x64xf32, #tpu.memory_space<vmem_shared>> -> memref<200x64xf32, #tpu.memory_space<vmem_shared>>
        %dma_start3A_59 = arith.constant 0 : i32
        %dma_start3A_60 = tpu.memref_slice %arg12[%mul3A_55, %dma_start3A_59] : memref<10000x64xf32, #tpu.memory_space<vmem_shared>> -> memref<200x64xf32, #tpu.memory_space<vmem_shared>>
        tpu.enqueue_dma source(%arg11 : memref<200x64xf32, #tpu.memory_space<vmem>>) target(%dma_start3A_60 : memref<200x64xf32, #tpu.memory_space<vmem_shared>>) target_semaphore(%run_scoped3A : memref<!tpu.dma_semaphore, #tpu.memory_space<semaphore_mem>>)
        %dma_wait3A = arith.constant 0 : i32
        %dma_wait3A_61 = tpu.memref_slice %arg12[%mul3A_55, %dma_wait3A] : memref<10000x64xf32, #tpu.memory_space<vmem_shared>> -> memref<200x64xf32, #tpu.memory_space<vmem_shared>>
        %dma_wait3A_62 = arith.constant 0 : i32
        %dma_wait3A_63 = tpu.memref_slice %arg12[%mul3A_55, %dma_wait3A_62] : memref<10000x64xf32, #tpu.memory_space<vmem_shared>> -> memref<200x64xf32, #tpu.memory_space<vmem_shared>>
        tpu.wait_dma2 semaphore(%run_scoped3A : memref<!tpu.dma_semaphore, #tpu.memory_space<semaphore_mem>>) src(%arg11 : memref<200x64xf32, #tpu.memory_space<vmem>>) dst(%dma_wait3A_63 : memref<200x64xf32, #tpu.memory_space<vmem_shared>>)
        tpu.yield
      }) : () -> ()
    }
    %barrier3A = arith.constant 0 : index
    tpu.barrier barrier_id(%barrier3A)
    %scan3A_34 = arith.constant 0 : i32
    %scan3A_35 = arith.constant 0 : i32
    %scan3A_36 = arith.constant 157 : i32
    %scan3A_37 = arith.addi %scan3A_35, %scan3A_36 : i32
    %scan3A_38 = arith.constant 1 : i32
    scf.for %scan3A_51 = %scan3A_35 to %scan3A_37 step %scan3A_38  : i32 {
      %dma_start3A = arith.constant 0 : i32
      %dma_start3A_52 = tpu.memref_slice %arg7[%scan3A_51, %dma_start3A] : memref<157x128xi32, #tpu.memory_space<vmem>> -> memref<1x128xi32, #tpu.memory_space<vmem>>
      %dma_start3A_53 = tpu.memref_squeeze %dma_start3A_52 : memref<1x128xi32, #tpu.memory_space<vmem>> -> memref<128xi32, #tpu.memory_space<vmem>>
      %dma_start3A_54 = arith.constant 0 : i32
      %dma_start3A_55 = arith.constant 0 : i32
      %dma_start3A_56 = tpu.memref_slice %arg13[%dma_start3A_54, %dma_start3A_55] : memref<10000x64xf32, #tpu.memory_space<vmem_shared>> -> memref<10000x64xf32, #tpu.memory_space<vmem_shared>>
      tpu.enqueue_indirect_dma source(%dma_start3A_56 : memref<10000x64xf32, #tpu.memory_space<vmem_shared>>) target(%arg10 : memref<128x64xf32, #tpu.memory_space<vmem>>) offsets(%dma_start3A_53 : memref<128xi32, #tpu.memory_space<vmem>>) semaphore(%arg14 : memref<!tpu.dma_semaphore, #tpu.memory_space<semaphore_mem>>)
      "tpu.region"() ({
        %run_scoped3A_69 = tpu.sem_alloc : memref<!tpu.dma_semaphore, #tpu.memory_space<semaphore_mem>>
        %dma_start3A_70 = arith.constant 0 : i32
        %dma_start3A_71 = arith.constant 0 : i32
        %dma_start3A_72 = tpu.memref_slice %arg5[%arg1, %scan3A_51, %dma_start3A_70, %dma_start3A_71] : memref<16x157x128x16xf32, #tpu.memory_space<hbm>> -> memref<1x1x128x16xf32, #tpu.memory_space<hbm>>
        %dma_start3A_73 = tpu.memref_squeeze %dma_start3A_72 : memref<1x1x128x16xf32, #tpu.memory_space<hbm>> -> memref<128x16xf32, #tpu.memory_space<hbm>>
        %dma_start3A_74 = arith.constant 0 : i32
        %dma_start3A_75 = arith.constant 0 : i32
        %dma_start3A_76 = tpu.memref_slice %arg5[%arg1, %scan3A_51, %dma_start3A_74, %dma_start3A_75] : memref<16x157x128x16xf32, #tpu.memory_space<hbm>> -> memref<1x1x128x16xf32, #tpu.memory_space<hbm>>
        %dma_start3A_77 = tpu.memref_squeeze %dma_start3A_76 : memref<1x1x128x16xf32, #tpu.memory_space<hbm>> -> memref<128x16xf32, #tpu.memory_space<hbm>>
        tpu.enqueue_dma source(%dma_start3A_77 : memref<128x16xf32, #tpu.memory_space<hbm>>) target(%arg9 : memref<128x16xf32, #tpu.memory_space<vmem>>) target_semaphore(%run_scoped3A_69 : memref<!tpu.dma_semaphore, #tpu.memory_space<semaphore_mem>>)
        %dma_wait3A_78 = arith.constant 0 : i32
        %dma_wait3A_79 = arith.constant 0 : i32
        %dma_wait3A_80 = tpu.memref_slice %arg5[%arg1, %scan3A_51, %dma_wait3A_78, %dma_wait3A_79] : memref<16x157x128x16xf32, #tpu.memory_space<hbm>> -> memref<1x1x128x16xf32, #tpu.memory_space<hbm>>
        %dma_wait3A_81 = tpu.memref_squeeze %dma_wait3A_80 : memref<1x1x128x16xf32, #tpu.memory_space<hbm>> -> memref<128x16xf32, #tpu.memory_space<hbm>>
        %dma_wait3A_82 = arith.constant 0 : i32
        %dma_wait3A_83 = arith.constant 0 : i32
        %dma_wait3A_84 = tpu.memref_slice %arg5[%arg1, %scan3A_51, %dma_wait3A_82, %dma_wait3A_83] : memref<16x157x128x16xf32, #tpu.memory_space<hbm>> -> memref<1x1x128x16xf32, #tpu.memory_space<hbm>>
        %dma_wait3A_85 = tpu.memref_squeeze %dma_wait3A_84 : memref<1x1x128x16xf32, #tpu.memory_space<hbm>> -> memref<128x16xf32, #tpu.memory_space<hbm>>
        tpu.wait_dma2 semaphore(%run_scoped3A_69 : memref<!tpu.dma_semaphore, #tpu.memory_space<semaphore_mem>>) src(%dma_wait3A_85 : memref<128x16xf32, #tpu.memory_space<hbm>>) dst(%arg9 : memref<128x16xf32, #tpu.memory_space<vmem>>)
        tpu.yield
      }) : () -> ()
      %run_scoped3A = arith.constant 0 : i32
      "tpu.region"() ({
        %run_scoped3A_69 = tpu.sem_alloc : memref<!tpu.dma_semaphore, #tpu.memory_space<semaphore_mem>>
        %dma_start3A_70 = arith.constant 0 : i32
        %dma_start3A_71 = tpu.memref_slice %arg8[%run_scoped3A, %dma_start3A_70] : memref<1x128xi32, #tpu.memory_space<vmem>> -> memref<1x128xi32, #tpu.memory_space<vmem>>
        %dma_start3A_72 = tpu.memref_squeeze %dma_start3A_71 : memref<1x128xi32, #tpu.memory_space<vmem>> -> memref<128xi32, #tpu.memory_space<vmem>>
        %dma_start3A_73 = arith.constant 0 : i32
        %dma_start3A_74 = tpu.memref_slice %arg4[%arg1, %scan3A_51, %dma_start3A_73] : memref<16x157x128xi32, #tpu.memory_space<hbm>> -> memref<1x1x128xi32, #tpu.memory_space<hbm>>
        %dma_start3A_75 = tpu.memref_squeeze %dma_start3A_74 : memref<1x1x128xi32, #tpu.memory_space<hbm>> -> memref<128xi32, #tpu.memory_space<hbm>>
        %dma_start3A_76 = arith.constant 0 : i32
        %dma_start3A_77 = tpu.memref_slice %arg8[%run_scoped3A, %dma_start3A_76] : memref<1x128xi32, #tpu.memory_space<vmem>> -> memref<1x128xi32, #tpu.memory_space<vmem>>
        %dma_start3A_78 = tpu.memref_squeeze %dma_start3A_77 : memref<1x128xi32, #tpu.memory_space<vmem>> -> memref<128xi32, #tpu.memory_space<vmem>>
        %dma_start3A_79 = arith.constant 0 : i32
        %dma_start3A_80 = tpu.memref_slice %arg4[%arg1, %scan3A_51, %dma_start3A_79] : memref<16x157x128xi32, #tpu.memory_space<hbm>> -> memref<1x1x128xi32, #tpu.memory_space<hbm>>
        %dma_start3A_81 = tpu.memref_squeeze %dma_start3A_80 : memref<1x1x128xi32, #tpu.memory_space<hbm>> -> memref<128xi32, #tpu.memory_space<hbm>>
        tpu.enqueue_dma source(%dma_start3A_81 : memref<128xi32, #tpu.memory_space<hbm>>) target(%dma_start3A_78 : memref<128xi32, #tpu.memory_space<vmem>>) target_semaphore(%run_scoped3A_69 : memref<!tpu.dma_semaphore, #tpu.memory_space<semaphore_mem>>)
        %dma_wait3A_82 = arith.constant 0 : i32
        %dma_wait3A_83 = tpu.memref_slice %arg8[%run_scoped3A, %dma_wait3A_82] : memref<1x128xi32, #tpu.memory_space<vmem>> -> memref<1x128xi32, #tpu.memory_space<vmem>>
        %dma_wait3A_84 = tpu.memref_squeeze %dma_wait3A_83 : memref<1x128xi32, #tpu.memory_space<vmem>> -> memref<128xi32, #tpu.memory_space<vmem>>
        %dma_wait3A_85 = arith.constant 0 : i32
        %dma_wait3A_86 = tpu.memref_slice %arg4[%arg1, %scan3A_51, %dma_wait3A_85] : memref<16x157x128xi32, #tpu.memory_space<hbm>> -> memref<1x1x128xi32, #tpu.memory_space<hbm>>
        %dma_wait3A_87 = tpu.memref_squeeze %dma_wait3A_86 : memref<1x1x128xi32, #tpu.memory_space<hbm>> -> memref<128xi32, #tpu.memory_space<hbm>>
        %dma_wait3A_88 = arith.constant 0 : i32
        %dma_wait3A_89 = tpu.memref_slice %arg8[%run_scoped3A, %dma_wait3A_88] : memref<1x128xi32, #tpu.memory_space<vmem>> -> memref<1x128xi32, #tpu.memory_space<vmem>>
        %dma_wait3A_90 = tpu.memref_squeeze %dma_wait3A_89 : memref<1x128xi32, #tpu.memory_space<vmem>> -> memref<128xi32, #tpu.memory_space<vmem>>
        %dma_wait3A_91 = arith.constant 0 : i32
        %dma_wait3A_92 = tpu.memref_slice %arg4[%arg1, %scan3A_51, %dma_wait3A_91] : memref<16x157x128xi32, #tpu.memory_space<hbm>> -> memref<1x1x128xi32, #tpu.memory_space<hbm>>
        %dma_wait3A_93 = tpu.memref_squeeze %dma_wait3A_92 : memref<1x1x128xi32, #tpu.memory_space<hbm>> -> memref<128xi32, #tpu.memory_space<hbm>>
        tpu.wait_dma2 semaphore(%run_scoped3A_69 : memref<!tpu.dma_semaphore, #tpu.memory_space<semaphore_mem>>) src(%dma_wait3A_93 : memref<128xi32, #tpu.memory_space<hbm>>) dst(%dma_wait3A_90 : memref<128xi32, #tpu.memory_space<vmem>>)
        tpu.yield
      }) : () -> ()
      %dma_wait3A = arith.constant 0 : i32
      %dma_wait3A_57 = tpu.memref_slice %arg7[%scan3A_51, %dma_wait3A] : memref<157x128xi32, #tpu.memory_space<vmem>> -> memref<1x128xi32, #tpu.memory_space<vmem>>
      %dma_wait3A_58 = tpu.memref_squeeze %dma_wait3A_57 : memref<1x128xi32, #tpu.memory_space<vmem>> -> memref<128xi32, #tpu.memory_space<vmem>>
      %dma_wait3A_59 = arith.constant 0 : i32
      %dma_wait3A_60 = arith.constant 0 : i32
      %dma_wait3A_61 = tpu.memref_slice %arg13[%dma_wait3A_59, %dma_wait3A_60] : memref<10000x64xf32, #tpu.memory_space<vmem_shared>> -> memref<10000x64xf32, #tpu.memory_space<vmem_shared>>
      tpu.wait_indirect_dma semaphore(%arg14 : memref<!tpu.dma_semaphore, #tpu.memory_space<semaphore_mem>>) src(%dma_wait3A_61 : memref<10000x64xf32, #tpu.memory_space<vmem_shared>>) dst(%arg10 : memref<128x64xf32, #tpu.memory_space<vmem>>)
      %scan3A_62 = arith.constant 0 : i32
      %scan3A_63 = arith.constant 0 : i32
      %scan3A_64 = arith.constant 128 : i32
      %scan3A_65 = arith.addi %scan3A_63, %scan3A_64 : i32
      %scan3A_66 = arith.constant 1 : i32
      scf.for %scan3A_69 = %scan3A_63 to %scan3A_65 step %scan3A_66  : i32 {
        %get3A = arith.index_cast %scan3A_69 : i32 to index
        %get3A_70 = arith.constant 0 : index
        %get3A_71 = tpu.vector_load %arg9[%get3A, %get3A_70] {strides = array<i32>} : memref<128x16xf32, #tpu.memory_space<vmem>>, vector<1x16xf32>,
        %get3A_72 = vector.shape_cast %get3A_71 : vector<1x16xf32> to vector<16xf32>
        %get3A_73 = arith.index_cast %scan3A_69 : i32 to index
        %get3A_74 = arith.constant 0 : index
        %get3A_75 = tpu.vector_load %arg10[%get3A_73, %get3A_74] {strides = array<i32>} : memref<128x64xf32, #tpu.memory_space<vmem>>, vector<1x16xf32>,
        %get3A_76 = vector.shape_cast %get3A_75 : vector<1x16xf32> to vector<16xf32>
        %mul3A = arith.mulf %get3A_76, %get3A_72 : vector<16xf32>
        %swap3A = arith.index_cast %scan3A_69 : i32 to index
        %swap3A_77 = arith.constant 0 : index
        %swap3A_78 = tpu.vector_load %arg10[%swap3A, %swap3A_77] {strides = array<i32>} : memref<128x64xf32, #tpu.memory_space<vmem>>, vector<1x16xf32>,
        %swap3A_79 = vector.shape_cast %swap3A_78 : vector<1x16xf32> to vector<16xf32>
        %swap3A_80 = vector.shape_cast %mul3A : vector<16xf32> to vector<1x16xf32>
        tpu.vector_store %arg10[%swap3A, %swap3A_77], %swap3A_80 {strides = array<i32>} : memref<128x64xf32, #tpu.memory_space<vmem>>, vector<1x16xf32>,
        %get3A_81 = arith.index_cast %scan3A_69 : i32 to index
        %get3A_82 = arith.constant 16 : index
        %get3A_83 = tpu.vector_load %arg10[%get3A_81, %get3A_82] {strides = array<i32>} : memref<128x64xf32, #tpu.memory_space<vmem>>, vector<1x16xf32>,
        %get3A_84 = vector.shape_cast %get3A_83 : vector<1x16xf32> to vector<16xf32>
        %mul3A_85 = arith.mulf %get3A_84, %get3A_72 : vector<16xf32>
        %swap3A_86 = arith.index_cast %scan3A_69 : i32 to index
        %swap3A_87 = arith.constant 16 : index
        %swap3A_88 = tpu.vector_load %arg10[%swap3A_86, %swap3A_87] {strides = array<i32>} : memref<128x64xf32, #tpu.memory_space<vmem>>, vector<1x16xf32>,
        %swap3A_89 = vector.shape_cast %swap3A_88 : vector<1x16xf32> to vector<16xf32>
        %swap3A_90 = vector.shape_cast %mul3A_85 : vector<16xf32> to vector<1x16xf32>
        tpu.vector_store %arg10[%swap3A_86, %swap3A_87], %swap3A_90 {strides = array<i32>} : memref<128x64xf32, #tpu.memory_space<vmem>>, vector<1x16xf32>,
        %get3A_91 = arith.index_cast %scan3A_69 : i32 to index
        %get3A_92 = arith.constant 32 : index
        %get3A_93 = tpu.vector_load %arg10[%get3A_91, %get3A_92] {strides = array<i32>} : memref<128x64xf32, #tpu.memory_space<vmem>>, vector<1x16xf32>,
        %get3A_94 = vector.shape_cast %get3A_93 : vector<1x16xf32> to vector<16xf32>
        %mul3A_95 = arith.mulf %get3A_94, %get3A_72 : vector<16xf32>
        %swap3A_96 = arith.index_cast %scan3A_69 : i32 to index
        %swap3A_97 = arith.constant 32 : index
        %swap3A_98 = tpu.vector_load %arg10[%swap3A_96, %swap3A_97] {strides = array<i32>} : memref<128x64xf32, #tpu.memory_space<vmem>>, vector<1x16xf32>,
        %swap3A_99 = vector.shape_cast %swap3A_98 : vector<1x16xf32> to vector<16xf32>
        %swap3A_100 = vector.shape_cast %mul3A_95 : vector<16xf32> to vector<1x16xf32>
        tpu.vector_store %arg10[%swap3A_96, %swap3A_97], %swap3A_100 {strides = array<i32>} : memref<128x64xf32, #tpu.memory_space<vmem>>, vector<1x16xf32>,
        %get3A_101 = arith.index_cast %scan3A_69 : i32 to index
        %get3A_102 = arith.constant 48 : index
        %get3A_103 = tpu.vector_load %arg10[%get3A_101, %get3A_102] {strides = array<i32>} : memref<128x64xf32, #tpu.memory_space<vmem>>, vector<1x16xf32>,
        %get3A_104 = vector.shape_cast %get3A_103 : vector<1x16xf32> to vector<16xf32>
        %mul3A_105 = arith.mulf %get3A_104, %get3A_72 : vector<16xf32>
        %swap3A_106 = arith.index_cast %scan3A_69 : i32 to index
        %swap3A_107 = arith.constant 48 : index
        %swap3A_108 = tpu.vector_load %arg10[%swap3A_106, %swap3A_107] {strides = array<i32>} : memref<128x64xf32, #tpu.memory_space<vmem>>, vector<1x16xf32>,
        %swap3A_109 = vector.shape_cast %swap3A_108 : vector<1x16xf32> to vector<16xf32>
        %swap3A_110 = vector.shape_cast %mul3A_105 : vector<16xf32> to vector<1x16xf32>
        tpu.vector_store %arg10[%swap3A_106, %swap3A_107], %swap3A_110 {strides = array<i32>} : memref<128x64xf32, #tpu.memory_space<vmem>>, vector<1x16xf32>,
      }
      %scan3A_67 = arith.constant 128 : i32
      %run_scoped3A_68 = arith.constant 0 : i32
      "tpu.region"() ({
        %run_scoped3A_69 = tpu.sem_alloc : memref<!tpu.dma_semaphore, #tpu.memory_space<semaphore_mem>>
        %dma_start3A_70 = arith.constant 0 : i32
        %dma_start3A_71 = tpu.memref_slice %arg8[%run_scoped3A_68, %dma_start3A_70] : memref<1x128xi32, #tpu.memory_space<vmem>> -> memref<1x128xi32, #tpu.memory_space<vmem>>
        %dma_start3A_72 = tpu.memref_squeeze %dma_start3A_71 : memref<1x128xi32, #tpu.memory_space<vmem>> -> memref<128xi32, #tpu.memory_space<vmem>>
        %dma_start3A_73 = arith.constant 0 : i32
        %dma_start3A_74 = arith.constant 0 : i32
        %dma_start3A_75 = tpu.memref_slice %arg12[%dma_start3A_73, %dma_start3A_74] : memref<10000x64xf32, #tpu.memory_space<vmem_shared>> -> memref<10000x64xf32, #tpu.memory_space<vmem_shared>>
        tpu.enqueue_indirect_dma source(%arg10 : memref<128x64xf32, #tpu.memory_space<vmem>>) target(%dma_start3A_75 : memref<10000x64xf32, #tpu.memory_space<vmem_shared>>) offsets(%dma_start3A_72 : memref<128xi32, #tpu.memory_space<vmem>>) semaphore(%run_scoped3A_69 : memref<!tpu.dma_semaphore, #tpu.memory_space<semaphore_mem>>) {add = true}
        %dma_wait3A_76 = arith.constant 0 : i32
        %dma_wait3A_77 = tpu.memref_slice %arg8[%run_scoped3A_68, %dma_wait3A_76] : memref<1x128xi32, #tpu.memory_space<vmem>> -> memref<1x128xi32, #tpu.memory_space<vmem>>
        %dma_wait3A_78 = tpu.memref_squeeze %dma_wait3A_77 : memref<1x128xi32, #tpu.memory_space<vmem>> -> memref<128xi32, #tpu.memory_space<vmem>>
        %dma_wait3A_79 = arith.constant 0 : i32
        %dma_wait3A_80 = arith.constant 0 : i32
        %dma_wait3A_81 = tpu.memref_slice %arg12[%dma_wait3A_79, %dma_wait3A_80] : memref<10000x64xf32, #tpu.memory_space<vmem_shared>> -> memref<10000x64xf32, #tpu.memory_space<vmem_shared>>
        tpu.wait_indirect_dma semaphore(%run_scoped3A_69 : memref<!tpu.dma_semaphore, #tpu.memory_space<semaphore_mem>>) src(%arg10 : memref<128x64xf32, #tpu.memory_space<vmem>>) dst(%dma_wait3A_81 : memref<10000x64xf32, #tpu.memory_space<vmem_shared>>)
        tpu.yield
      }) : () -> ()
    }
    %scan3A_39 = arith.constant 157 : i32
    %barrier3A_40 = arith.constant 0 : index
    tpu.barrier barrier_id(%barrier3A_40)
    %while3A_41 = arith.constant 0 : i32
    %while3A_42 = arith.constant 0 : i32
    %while3A_43 = arith.subi %select_n3A, %while3A_42 : i32
    %while3A_44 = arith.addi %while3A_42, %while3A_43 : i32
    %while3A_45 = arith.constant 1 : i32
    %while3A_46 = arith.divsi %while3A_43, %while3A_45 : i32
    %while3A_47 = arith.muli %while3A_46, %while3A_45 : i32
    %while3A_48 = arith.addi %while3A_42, %while3A_47 : i32
    %while3A_49 = arith.constant 1 : i32
    scf.for %while3A_51 = %while3A_42 to %while3A_48 step %while3A_49  : i32 {
      %mul3A = arith.constant 16 : i32
      %mul3A_52 = arith.muli %mul3A, %while3A_51 : i32
      %add3A_53 = arith.addi %arg1, %mul3A_52 : i32
      %mul3A_54 = arith.constant 200 : i32
      %mul3A_55 = arith.muli %add3A_53, %mul3A_54 : i32
      "tpu.region"() ({
        %run_scoped3A = tpu.sem_alloc : memref<!tpu.dma_semaphore, #tpu.memory_space<semaphore_mem>>
        %dma_start3A = arith.constant 0 : i32
        %dma_start3A_62 = tpu.memref_slice %arg12[%mul3A_55, %dma_start3A] : memref<10000x64xf32, #tpu.memory_space<vmem_shared>> -> memref<200x64xf32, #tpu.memory_space<vmem_shared>>
        %dma_start3A_63 = arith.constant 0 : i32
        %dma_start3A_64 = tpu.memref_slice %arg12[%mul3A_55, %dma_start3A_63] : memref<10000x64xf32, #tpu.memory_space<vmem_shared>> -> memref<200x64xf32, #tpu.memory_space<vmem_shared>>
        tpu.enqueue_dma source(%dma_start3A_64 : memref<200x64xf32, #tpu.memory_space<vmem_shared>>) target(%arg11 : memref<200x64xf32, #tpu.memory_space<vmem>>) target_semaphore(%run_scoped3A : memref<!tpu.dma_semaphore, #tpu.memory_space<semaphore_mem>>)
        %dma_wait3A = arith.constant 0 : i32
        %dma_wait3A_65 = tpu.memref_slice %arg12[%mul3A_55, %dma_wait3A] : memref<10000x64xf32, #tpu.memory_space<vmem_shared>> -> memref<200x64xf32, #tpu.memory_space<vmem_shared>>
        %dma_wait3A_66 = arith.constant 0 : i32
        %dma_wait3A_67 = tpu.memref_slice %arg12[%mul3A_55, %dma_wait3A_66] : memref<10000x64xf32, #tpu.memory_space<vmem_shared>> -> memref<200x64xf32, #tpu.memory_space<vmem_shared>>
        tpu.wait_dma2 semaphore(%run_scoped3A : memref<!tpu.dma_semaphore, #tpu.memory_space<semaphore_mem>>) src(%dma_wait3A_67 : memref<200x64xf32, #tpu.memory_space<vmem_shared>>) dst(%arg11 : memref<200x64xf32, #tpu.memory_space<vmem>>)
        tpu.yield
      }) : () -> ()
      %scan3A_56 = arith.constant 0 : i32
      %scan3A_57 = arith.constant 0 : i32
      %scan3A_58 = arith.constant 200 : i32
      %scan3A_59 = arith.addi %scan3A_57, %scan3A_58 : i32
      %scan3A_60 = arith.constant 1 : i32
      scf.for %scan3A_62 = %scan3A_57 to %scan3A_59 step %scan3A_60  : i32 {
        %get3A = arith.index_cast %scan3A_62 : i32 to index
        %get3A_63 = arith.constant 0 : index
        %get3A_64 = tpu.vector_load %arg11[%get3A, %get3A_63] {strides = array<i32>} : memref<200x64xf32, #tpu.memory_space<vmem>>, vector<1x16xf32>,
        %get3A_65 = vector.shape_cast %get3A_64 : vector<1x16xf32> to vector<16xf32>
        %max3A = arith.constant 0.000000e+00 : f32
        %max3A_66 = vector.broadcast %max3A : f32 to vector<16xf32>
        %max3A_67 = arith.maximumf %get3A_65, %max3A_66 : vector<16xf32>
        %swap3A = arith.index_cast %scan3A_62 : i32 to index
        %swap3A_68 = arith.constant 0 : index
        %swap3A_69 = tpu.vector_load %arg11[%swap3A, %swap3A_68] {strides = array<i32>} : memref<200x64xf32, #tpu.memory_space<vmem>>, vector<1x16xf32>,
        %swap3A_70 = vector.shape_cast %swap3A_69 : vector<1x16xf32> to vector<16xf32>
        %swap3A_71 = vector.shape_cast %max3A_67 : vector<16xf32> to vector<1x16xf32>
        tpu.vector_store %arg11[%swap3A, %swap3A_68], %swap3A_71 {strides = array<i32>} : memref<200x64xf32, #tpu.memory_space<vmem>>, vector<1x16xf32>,
        %get3A_72 = arith.index_cast %scan3A_62 : i32 to index
        %get3A_73 = arith.constant 16 : index
        %get3A_74 = tpu.vector_load %arg11[%get3A_72, %get3A_73] {strides = array<i32>} : memref<200x64xf32, #tpu.memory_space<vmem>>, vector<1x16xf32>,
        %get3A_75 = vector.shape_cast %get3A_74 : vector<1x16xf32> to vector<16xf32>
        %max3A_76 = arith.constant 0.000000e+00 : f32
        %max3A_77 = vector.broadcast %max3A_76 : f32 to vector<16xf32>
        %max3A_78 = arith.maximumf %get3A_75, %max3A_77 : vector<16xf32>
        %swap3A_79 = arith.index_cast %scan3A_62 : i32 to index
        %swap3A_80 = arith.constant 16 : index
        %swap3A_81 = tpu.vector_load %arg11[%swap3A_79, %swap3A_80] {strides = array<i32>} : memref<200x64xf32, #tpu.memory_space<vmem>>, vector<1x16xf32>,
        %swap3A_82 = vector.shape_cast %swap3A_81 : vector<1x16xf32> to vector<16xf32>
        %swap3A_83 = vector.shape_cast %max3A_78 : vector<16xf32> to vector<1x16xf32>
        tpu.vector_store %arg11[%swap3A_79, %swap3A_80], %swap3A_83 {strides = array<i32>} : memref<200x64xf32, #tpu.memory_space<vmem>>, vector<1x16xf32>,
        %get3A_84 = arith.index_cast %scan3A_62 : i32 to index
        %get3A_85 = arith.constant 32 : index
        %get3A_86 = tpu.vector_load %arg11[%get3A_84, %get3A_85] {strides = array<i32>} : memref<200x64xf32, #tpu.memory_space<vmem>>, vector<1x16xf32>,
        %get3A_87 = vector.shape_cast %get3A_86 : vector<1x16xf32> to vector<16xf32>
        %max3A_88 = arith.constant 0.000000e+00 : f32
        %max3A_89 = vector.broadcast %max3A_88 : f32 to vector<16xf32>
        %max3A_90 = arith.maximumf %get3A_87, %max3A_89 : vector<16xf32>
        %swap3A_91 = arith.index_cast %scan3A_62 : i32 to index
        %swap3A_92 = arith.constant 32 : index
        %swap3A_93 = tpu.vector_load %arg11[%swap3A_91, %swap3A_92] {strides = array<i32>} : memref<200x64xf32, #tpu.memory_space<vmem>>, vector<1x16xf32>,
        %swap3A_94 = vector.shape_cast %swap3A_93 : vector<1x16xf32> to vector<16xf32>
        %swap3A_95 = vector.shape_cast %max3A_90 : vector<16xf32> to vector<1x16xf32>
        tpu.vector_store %arg11[%swap3A_91, %swap3A_92], %swap3A_95 {strides = array<i32>} : memref<200x64xf32, #tpu.memory_space<vmem>>, vector<1x16xf32>,
        %get3A_96 = arith.index_cast %scan3A_62 : i32 to index
        %get3A_97 = arith.constant 48 : index
        %get3A_98 = tpu.vector_load %arg11[%get3A_96, %get3A_97] {strides = array<i32>} : memref<200x64xf32, #tpu.memory_space<vmem>>, vector<1x16xf32>,
        %get3A_99 = vector.shape_cast %get3A_98 : vector<1x16xf32> to vector<16xf32>
        %max3A_100 = arith.constant 0.000000e+00 : f32
        %max3A_101 = vector.broadcast %max3A_100 : f32 to vector<16xf32>
        %max3A_102 = arith.maximumf %get3A_99, %max3A_101 : vector<16xf32>
        %swap3A_103 = arith.index_cast %scan3A_62 : i32 to index
        %swap3A_104 = arith.constant 48 : index
        %swap3A_105 = tpu.vector_load %arg11[%swap3A_103, %swap3A_104] {strides = array<i32>} : memref<200x64xf32, #tpu.memory_space<vmem>>, vector<1x16xf32>,
        %swap3A_106 = vector.shape_cast %swap3A_105 : vector<1x16xf32> to vector<16xf32>
        %swap3A_107 = vector.shape_cast %max3A_102 : vector<16xf32> to vector<1x16xf32>
        tpu.vector_store %arg11[%swap3A_103, %swap3A_104], %swap3A_107 {strides = array<i32>} : memref<200x64xf32, #tpu.memory_space<vmem>>, vector<1x16xf32>,
      }
      %scan3A_61 = arith.constant 200 : i32
      "tpu.region"() ({
        %run_scoped3A = tpu.sem_alloc : memref<!tpu.dma_semaphore, #tpu.memory_space<semaphore_mem>>
        %dma_start3A = arith.constant 0 : i32
        %dma_start3A_62 = tpu.memref_slice %arg6[%mul3A_55, %arg0, %dma_start3A] : memref<10000x2x64xf32, #tpu.memory_space<hbm>> -> memref<200x1x64xf32, #tpu.memory_space<hbm>>
        %dma_start3A_63 = tpu.memref_squeeze %dma_start3A_62 : memref<200x1x64xf32, #tpu.memory_space<hbm>> -> memref<200x64xf32, #tpu.memory_space<hbm>>
        %dma_start3A_64 = arith.constant 0 : i32
        %dma_start3A_65 = tpu.memref_slice %arg6[%mul3A_55, %arg0, %dma_start3A_64] : memref<10000x2x64xf32, #tpu.memory_space<hbm>> -> memref<200x1x64xf32, #tpu.memory_space<hbm>>
        %dma_start3A_66 = tpu.memref_squeeze %dma_start3A_65 : memref<200x1x64xf32, #tpu.memory_space<hbm>> -> memref<200x64xf32, #tpu.memory_space<hbm>>
        tpu.enqueue_dma source(%arg11 : memref<200x64xf32, #tpu.memory_space<vmem>>) target(%dma_start3A_66 : memref<200x64xf32, #tpu.memory_space<hbm>>) target_semaphore(%run_scoped3A : memref<!tpu.dma_semaphore, #tpu.memory_space<semaphore_mem>>)
        %dma_wait3A = arith.constant 0 : i32
        %dma_wait3A_67 = tpu.memref_slice %arg6[%mul3A_55, %arg0, %dma_wait3A] : memref<10000x2x64xf32, #tpu.memory_space<hbm>> -> memref<200x1x64xf32, #tpu.memory_space<hbm>>
        %dma_wait3A_68 = tpu.memref_squeeze %dma_wait3A_67 : memref<200x1x64xf32, #tpu.memory_space<hbm>> -> memref<200x64xf32, #tpu.memory_space<hbm>>
        %dma_wait3A_69 = arith.constant 0 : i32
        %dma_wait3A_70 = tpu.memref_slice %arg6[%mul3A_55, %arg0, %dma_wait3A_69] : memref<10000x2x64xf32, #tpu.memory_space<hbm>> -> memref<200x1x64xf32, #tpu.memory_space<hbm>>
        %dma_wait3A_71 = tpu.memref_squeeze %dma_wait3A_70 : memref<200x1x64xf32, #tpu.memory_space<hbm>> -> memref<200x64xf32, #tpu.memory_space<hbm>>
        tpu.wait_dma2 semaphore(%run_scoped3A : memref<!tpu.dma_semaphore, #tpu.memory_space<semaphore_mem>>) src(%arg11 : memref<200x64xf32, #tpu.memory_space<vmem>>) dst(%dma_wait3A_71 : memref<200x64xf32, #tpu.memory_space<hbm>>)
        tpu.yield
      }) : () -> ()
    }
    %while3A_50 = arith.constant 1 : i32
    scf.for %while3A_51 = %while3A_48 to %while3A_44 step %while3A_50  : i32 {
      %mul3A = arith.constant 16 : i32
      %mul3A_52 = arith.muli %mul3A, %while3A_51 : i32
      %add3A_53 = arith.addi %arg1, %mul3A_52 : i32
      %mul3A_54 = arith.constant 200 : i32
      %mul3A_55 = arith.muli %add3A_53, %mul3A_54 : i32
      "tpu.region"() ({
        %run_scoped3A = tpu.sem_alloc : memref<!tpu.dma_semaphore, #tpu.memory_space<semaphore_mem>>
        %dma_start3A = arith.constant 0 : i32
        %dma_start3A_62 = tpu.memref_slice %arg12[%mul3A_55, %dma_start3A] : memref<10000x64xf32, #tpu.memory_space<vmem_shared>> -> memref<200x64xf32, #tpu.memory_space<vmem_shared>>
        %dma_start3A_63 = arith.constant 0 : i32
        %dma_start3A_64 = tpu.memref_slice %arg12[%mul3A_55, %dma_start3A_63] : memref<10000x64xf32, #tpu.memory_space<vmem_shared>> -> memref<200x64xf32, #tpu.memory_space<vmem_shared>>
        tpu.enqueue_dma source(%dma_start3A_64 : memref<200x64xf32, #tpu.memory_space<vmem_shared>>) target(%arg11 : memref<200x64xf32, #tpu.memory_space<vmem>>) target_semaphore(%run_scoped3A : memref<!tpu.dma_semaphore, #tpu.memory_space<semaphore_mem>>)
        %dma_wait3A = arith.constant 0 : i32
        %dma_wait3A_65 = tpu.memref_slice %arg12[%mul3A_55, %dma_wait3A] : memref<10000x64xf32, #tpu.memory_space<vmem_shared>> -> memref<200x64xf32, #tpu.memory_space<vmem_shared>>
        %dma_wait3A_66 = arith.constant 0 : i32
        %dma_wait3A_67 = tpu.memref_slice %arg12[%mul3A_55, %dma_wait3A_66] : memref<10000x64xf32, #tpu.memory_space<vmem_shared>> -> memref<200x64xf32, #tpu.memory_space<vmem_shared>>
        tpu.wait_dma2 semaphore(%run_scoped3A : memref<!tpu.dma_semaphore, #tpu.memory_space<semaphore_mem>>) src(%dma_wait3A_67 : memref<200x64xf32, #tpu.memory_space<vmem_shared>>) dst(%arg11 : memref<200x64xf32, #tpu.memory_space<vmem>>)
        tpu.yield
      }) : () -> ()
      %scan3A_56 = arith.constant 0 : i32
      %scan3A_57 = arith.constant 0 : i32
      %scan3A_58 = arith.constant 200 : i32
      %scan3A_59 = arith.addi %scan3A_57, %scan3A_58 : i32
      %scan3A_60 = arith.constant 1 : i32
      scf.for %scan3A_62 = %scan3A_57 to %scan3A_59 step %scan3A_60  : i32 {
        %get3A = arith.index_cast %scan3A_62 : i32 to index
        %get3A_63 = arith.constant 0 : index
        %get3A_64 = tpu.vector_load %arg11[%get3A, %get3A_63] {strides = array<i32>} : memref<200x64xf32, #tpu.memory_space<vmem>>, vector<1x16xf32>,
        %get3A_65 = vector.shape_cast %get3A_64 : vector<1x16xf32> to vector<16xf32>
        %max3A = arith.constant 0.000000e+00 : f32
        %max3A_66 = vector.broadcast %max3A : f32 to vector<16xf32>
        %max3A_67 = arith.maximumf %get3A_65, %max3A_66 : vector<16xf32>
        %swap3A = arith.index_cast %scan3A_62 : i32 to index
        %swap3A_68 = arith.constant 0 : index
        %swap3A_69 = tpu.vector_load %arg11[%swap3A, %swap3A_68] {strides = array<i32>} : memref<200x64xf32, #tpu.memory_space<vmem>>, vector<1x16xf32>,
        %swap3A_70 = vector.shape_cast %swap3A_69 : vector<1x16xf32> to vector<16xf32>
        %swap3A_71 = vector.shape_cast %max3A_67 : vector<16xf32> to vector<1x16xf32>
        tpu.vector_store %arg11[%swap3A, %swap3A_68], %swap3A_71 {strides = array<i32>} : memref<200x64xf32, #tpu.memory_space<vmem>>, vector<1x16xf32>,
        %get3A_72 = arith.index_cast %scan3A_62 : i32 to index
        %get3A_73 = arith.constant 16 : index
        %get3A_74 = tpu.vector_load %arg11[%get3A_72, %get3A_73] {strides = array<i32>} : memref<200x64xf32, #tpu.memory_space<vmem>>, vector<1x16xf32>,
        %get3A_75 = vector.shape_cast %get3A_74 : vector<1x16xf32> to vector<16xf32>
        %max3A_76 = arith.constant 0.000000e+00 : f32
        %max3A_77 = vector.broadcast %max3A_76 : f32 to vector<16xf32>
        %max3A_78 = arith.maximumf %get3A_75, %max3A_77 : vector<16xf32>
        %swap3A_79 = arith.index_cast %scan3A_62 : i32 to index
        %swap3A_80 = arith.constant 16 : index
        %swap3A_81 = tpu.vector_load %arg11[%swap3A_79, %swap3A_80] {strides = array<i32>} : memref<200x64xf32, #tpu.memory_space<vmem>>, vector<1x16xf32>,
        %swap3A_82 = vector.shape_cast %swap3A_81 : vector<1x16xf32> to vector<16xf32>
        %swap3A_83 = vector.shape_cast %max3A_78 : vector<16xf32> to vector<1x16xf32>
        tpu.vector_store %arg11[%swap3A_79, %swap3A_80], %swap3A_83 {strides = array<i32>} : memref<200x64xf32, #tpu.memory_space<vmem>>, vector<1x16xf32>,
        %get3A_84 = arith.index_cast %scan3A_62 : i32 to index
        %get3A_85 = arith.constant 32 : index
        %get3A_86 = tpu.vector_load %arg11[%get3A_84, %get3A_85] {strides = array<i32>} : memref<200x64xf32, #tpu.memory_space<vmem>>, vector<1x16xf32>,
        %get3A_87 = vector.shape_cast %get3A_86 : vector<1x16xf32> to vector<16xf32>
        %max3A_88 = arith.constant 0.000000e+00 : f32
        %max3A_89 = vector.broadcast %max3A_88 : f32 to vector<16xf32>
        %max3A_90 = arith.maximumf %get3A_87, %max3A_89 : vector<16xf32>
        %swap3A_91 = arith.index_cast %scan3A_62 : i32 to index
        %swap3A_92 = arith.constant 32 : index
        %swap3A_93 = tpu.vector_load %arg11[%swap3A_91, %swap3A_92] {strides = array<i32>} : memref<200x64xf32, #tpu.memory_space<vmem>>, vector<1x16xf32>,
        %swap3A_94 = vector.shape_cast %swap3A_93 : vector<1x16xf32> to vector<16xf32>
        %swap3A_95 = vector.shape_cast %max3A_90 : vector<16xf32> to vector<1x16xf32>
        tpu.vector_store %arg11[%swap3A_91, %swap3A_92], %swap3A_95 {strides = array<i32>} : memref<200x64xf32, #tpu.memory_space<vmem>>, vector<1x16xf32>,
        %get3A_96 = arith.index_cast %scan3A_62 : i32 to index
        %get3A_97 = arith.constant 48 : index
        %get3A_98 = tpu.vector_load %arg11[%get3A_96, %get3A_97] {strides = array<i32>} : memref<200x64xf32, #tpu.memory_space<vmem>>, vector<1x16xf32>,
        %get3A_99 = vector.shape_cast %get3A_98 : vector<1x16xf32> to vector<16xf32>
        %max3A_100 = arith.constant 0.000000e+00 : f32
        %max3A_101 = vector.broadcast %max3A_100 : f32 to vector<16xf32>
        %max3A_102 = arith.maximumf %get3A_99, %max3A_101 : vector<16xf32>
        %swap3A_103 = arith.index_cast %scan3A_62 : i32 to index
        %swap3A_104 = arith.constant 48 : index
        %swap3A_105 = tpu.vector_load %arg11[%swap3A_103, %swap3A_104] {strides = array<i32>} : memref<200x64xf32, #tpu.memory_space<vmem>>, vector<1x16xf32>,
        %swap3A_106 = vector.shape_cast %swap3A_105 : vector<1x16xf32> to vector<16xf32>
        %swap3A_107 = vector.shape_cast %max3A_102 : vector<16xf32> to vector<1x16xf32>
        tpu.vector_store %arg11[%swap3A_103, %swap3A_104], %swap3A_107 {strides = array<i32>} : memref<200x64xf32, #tpu.memory_space<vmem>>, vector<1x16xf32>,
      }
      %scan3A_61 = arith.constant 200 : i32
      "tpu.region"() ({
        %run_scoped3A = tpu.sem_alloc : memref<!tpu.dma_semaphore, #tpu.memory_space<semaphore_mem>>
        %dma_start3A = arith.constant 0 : i32
        %dma_start3A_62 = tpu.memref_slice %arg6[%mul3A_55, %arg0, %dma_start3A] : memref<10000x2x64xf32, #tpu.memory_space<hbm>> -> memref<200x1x64xf32, #tpu.memory_space<hbm>>
        %dma_start3A_63 = tpu.memref_squeeze %dma_start3A_62 : memref<200x1x64xf32, #tpu.memory_space<hbm>> -> memref<200x64xf32, #tpu.memory_space<hbm>>
        %dma_start3A_64 = arith.constant 0 : i32
        %dma_start3A_65 = tpu.memref_slice %arg6[%mul3A_55, %arg0, %dma_start3A_64] : memref<10000x2x64xf32, #tpu.memory_space<hbm>> -> memref<200x1x64xf32, #tpu.memory_space<hbm>>
        %dma_start3A_66 = tpu.memref_squeeze %dma_start3A_65 : memref<200x1x64xf32, #tpu.memory_space<hbm>> -> memref<200x64xf32, #tpu.memory_space<hbm>>
        tpu.enqueue_dma source(%arg11 : memref<200x64xf32, #tpu.memory_space<vmem>>) target(%dma_start3A_66 : memref<200x64xf32, #tpu.memory_space<hbm>>) target_semaphore(%run_scoped3A : memref<!tpu.dma_semaphore, #tpu.memory_space<semaphore_mem>>)
        %dma_wait3A = arith.constant 0 : i32
        %dma_wait3A_67 = tpu.memref_slice %arg6[%mul3A_55, %arg0, %dma_wait3A] : memref<10000x2x64xf32, #tpu.memory_space<hbm>> -> memref<200x1x64xf32, #tpu.memory_space<hbm>>
        %dma_wait3A_68 = tpu.memref_squeeze %dma_wait3A_67 : memref<200x1x64xf32, #tpu.memory_space<hbm>> -> memref<200x64xf32, #tpu.memory_space<hbm>>
        %dma_wait3A_69 = arith.constant 0 : i32
        %dma_wait3A_70 = tpu.memref_slice %arg6[%mul3A_55, %arg0, %dma_wait3A_69] : memref<10000x2x64xf32, #tpu.memory_space<hbm>> -> memref<200x1x64xf32, #tpu.memory_space<hbm>>
        %dma_wait3A_71 = tpu.memref_squeeze %dma_wait3A_70 : memref<200x1x64xf32, #tpu.memory_space<hbm>> -> memref<200x64xf32, #tpu.memory_space<hbm>>
        tpu.wait_dma2 semaphore(%run_scoped3A : memref<!tpu.dma_semaphore, #tpu.memory_space<semaphore_mem>>) src(%arg11 : memref<200x64xf32, #tpu.memory_space<vmem>>) dst(%dma_wait3A_71 : memref<200x64xf32, #tpu.memory_space<hbm>>)
        tpu.yield
      }) : () -> ()
    }
    return
  }
}

module attributes {stable_mosaic.version = 14 : i64} {
  func.func @mm(%arg0: i32, %arg1: memref<400x128xf32, #tpu.memory_space<vmem>>, %arg2: memref<128x128xf32, #tpu.memory_space<vmem>>, %arg3: memref<400x128xf32, #tpu.memory_space<vmem>>) attributes {dimension_semantics = [#tpu.dimension_semantics<arbitrary>], iteration_bounds = array<i64: 25>, scalar_prefetch = 0 : i64, scratch_operands = 0 : i64, tpu.core_type = #tpu.core_type<tc>, window_params = [{transform_indices = @transform_0, window_bounds = array<i64: 400, 128>}, {pipeline_mode = #tpu.pipeline_mode<synchronous>, transform_indices = @transform_1, window_bounds = array<i64: 128, 128>}, {transform_indices = @transform_2, window_bounds = array<i64: 400, 128>}]} {
    %get3A = arith.constant 0 : index
    %get3A_0 = arith.constant 0 : index
    %get3A_1 = vector.load %arg1[%get3A, %get3A_0] : memref<400x128xf32, #tpu.memory_space<vmem>>, vector<400x128xf32>
    %get3A_2 = arith.constant 0 : index
    %get3A_3 = arith.constant 0 : index
    %get3A_4 = vector.load %arg2[%get3A_2, %get3A_3] : memref<128x128xf32, #tpu.memory_space<vmem>>, vector<128x128xf32>
    %dot_general3A = arith.constant dense<0.000000e+00> : vector<400x128xf32>
    %dot_general3A_5 = tpu.matmul %get3A_1, %get3A_4, %dot_general3A {dimension_numbers = #tpu.dot_dimension_numbers<[1], [0], [0], [1], [0, 0, 1, 1], [], []>, transpose_lhs_hint = false} : vector<400x128xf32>, vector<128x128xf32>, vector<400x128xf32> -> vector<400x128xf32>
    %swap3A = arith.constant 0 : index
    %swap3A_6 = arith.constant 0 : index
    %swap3A_7 = vector.load %arg3[%swap3A, %swap3A_6] : memref<400x128xf32, #tpu.memory_space<vmem>>, vector<400x128xf32>
    tpu.vector_store %arg3[%swap3A, %swap3A_6], %dot_general3A_5 {strides = array<i32>} : memref<400x128xf32, #tpu.memory_space<vmem>>, vector<400x128xf32>,
    return
  }
  func.func @transform_0(%arg0: i32) -> (i32, i32) {
    %c0_i32 = arith.constant 0 : i32
    %c0_i32_0 = arith.constant 0 : i32
    return %arg0, %c0_i32 : i32, i32
  }
  func.func @transform_1(%arg0: i32) -> (i32, i32) {
    %c0_i32 = arith.constant 0 : i32
    %c0_i32_0 = arith.constant 0 : i32
    %c0_i32_1 = arith.constant 0 : i32
    return %c0_i32, %c0_i32_0 : i32, i32
  }
  func.func @transform_2(%arg0: i32) -> (i32, i32) {
    %c0_i32 = arith.constant 0 : i32
    %c0_i32_0 = arith.constant 0 : i32
    return %arg0, %c0_i32 : i32, i32
  }
}

</mosaic_0001>

<sc_bundles>
// kernel: kernel.4.cloned.1.call-start
scs
__scs_entry_jumppad:
0x0: {  	(pc) =	sbr.rel $0x88, $3  }
0x1: {  	(tag) =	ssettag $0x0;
	lr =	simm.s32 $0x1  }
0x2: {  	[smem:$0x3F9D] =	sst lr;
	_ =	strace $0xD0000000  }
0x3: {  	_ = 	snop  }
0x4: {  	_ = 	snop  }
0x5: {  	_ = 	snop  }
0x6: {  	_ = 	snop  }
0x7: {  	_ = 	snop  }
__scs_overlays_trampoline_lowered:
0x8: {  	[smem:$0x3FAC] =	sst s0  }
0x9: {  	[smem:$0x3FAD] =	sst s1  }
0xa: {  	[smem:$0x3FAE] =	sst s2  }
0xb: {  	[smem:$0x3FAF] =	sst s3  }
0xc: {  	[smem:$0x3FB0] =	sst s4  }
0xd: {  	[smem:$0x3FB1] =	sst s5  }
0xe: {  	[smem:$0x3FB2] =	sst s6  }
0xf: {  	[smem:$0x3FB3] =	sst s7  }
0x10: {  	[smem:$0x3FB4] =	sst s8  }
0x11: {  	[smem:$0x3FB5] =	sst s9;
	s0 =	simm.s32 @!p0 $0x0  }
0x12: {  	s1 =	sld [smem:$0x3F9B];
	s0 =	simm.s32 @p0 $0x1  }
0x13: {  	[smem:$0x3FB6] =	sst s0;
	s0 =	simm.s32 @!p1 $0x0  }
0x14: {  	s2 =	sld [smem:$0x3F9A];
	s0 =	simm.s32 @p1 $0x1  }
0x15: {  	[smem:$0x3FB7] =	sst s0;
	s0 =	simm.s32 @!p2 $0x0  }
0x16: {  	s3 =	sld [smem:$0x3FDB];
	s0 =	simm.s32 @p2 $0x1  }
0x17: {  	s4 =	simm.s32 $0x1BF5;
	[smem:$0x3FB9] =	sst s0  }
0x18: {  	s0 =	sld [smem:$0x3F9C];
	_ =	swait.ge [sflag:s4], $0x0  }
0x19: {  	s7 =	sld [smem:$0x3F9D]  }
0x1a: {  	s8 =	sadd.s32 $0xFFFFE003, lr  }
0x1b: {  	s9 =	sadd.s32 $0xFFFFFEF7, lr;
	s5 =	simm.s32 $0xFFFFFFFF;
	p2 =	slt.u32 s8, $0xFFFFF086  }
0x1c: {  	p1 =	slt.u32 s9, $0xF7A;
	s5 =	simm.s32 @!p2 $0x0  }
0x1d: {  	s5 =	simm.s32 @p1 $0x1;
	p0 =	seq.s32 s7, s2  }
0x1e: {  	s7 =	smul.u32 @!p0 $0xF7A, s2;
	p2 =	seq.s32 @!p0 s5, $0x0  }
0x1f: {  	s9 =	smul.u32 $0xF7A, s1;
	s8 =	simm.s32 @!p0 $0x1BF5;
	p2 =	por !p2, p0  }
0x20: {  	[sflag:s8] =	ssyncset.s32 @!p0 $0xFFFFF086;
	s6 =	sadd.s32 @!p0 s3, s7;
	s7 =	simm.s32 @!p0 $0x108  }
0x21: {  	s3 =	sadd.s32 s3, s9;
	s6 =	sadd.s32 @!p0 $0x88, s6;
	s7 =	simm.s32 @p2 $0x1082  }
0x22: {  	[simem:s7], [sflag:s8] =	dma.local @!p0 [hbm:s6], $0xF7A  }
0x23: {  	s9 =	sor.u32 $0xD0000000, s2;
	s6 =	simm.s32 $0x108;
	_ =	swait.ge @!p0 [sflag:s8], $0x0  }
0x24: {  	s3 =	sadd.s32 $0x88, s3;
	s6 =	simm.s32 @!p1 $0x1082;
	[sflag:s4] =	ssyncset.s32 $0xFFFFF086  }
0x25: {  	[simem:s6], [sflag:s4] =	dma.local [hbm:s3], $0xF7A  }
0x26: {  	[smem:$0x3F9D] =	sst s1;
	(tag) =	ssettag s2;
	_ =	strace s9  }
0x27: {  	s1 =	sld [smem:$0x3FAD]  }
0x28: {  	s2 =	sld [smem:$0x3FAE]  }
0x29: {  	s4 =	sld [smem:$0x3FB0]  }
0x2a: {  	p0 =	seq.s32 s5, $0x0;
	s5 =	sld [smem:$0x3FB1]  }
0x2b: {  	s6 =	sld [smem:$0x3FB2]  }
0x2c: {  	s7 =	sld [smem:$0x3FB3]  }
0x2d: {  	s3 =	simm.s32 $0x108;
	s8 =	sld [smem:$0x3FB4]  }
0x2e: {  	s3 =	simm.s32 @!p0 $0x1082;
	s9 =	sld [smem:$0x3FB5]  }
0x2f: {  	lr =	sadd.s32 s0, s3;
	s0 =	sld [smem:$0x3FAC]  }
0x30: {  	s3 =	sld [smem:$0x3FAF]  }
0x31: {  	[smem:$0x3FB8] =	sst s10  }
0x32: {  	s10 =	sld [smem:$0x3FB6];
	_ =	sdelay $0x3  }
0x33: {  	p0 =	seq.s32 s10, $0x1;
	s10 =	sld [smem:$0x3FB8];
	_ =	sdelay $0x3  }
0x34: {  	[smem:$0x3FB8] =	sst s10  }
0x35: {  	s10 =	sld [smem:$0x3FB7];
	_ =	sdelay $0x3  }
0x36: {  	p1 =	seq.s32 s10, $0x1;
	s10 =	sld [smem:$0x3FB8];
	_ =	sdelay $0x3  }
0x37: {  	[smem:$0x3FB8] =	sst s10  }
0x38: {  	s10 =	sld [smem:$0x3FB9]  }
0x39: {  	_ = 	snop;
	(pc) =	sbr.ind lr, $3  }
0x3a: {  	_ = 	snop  }
0x3b: {  	_ = 	snop  }
0x3c: {  	p2 =	seq.s32 s10, $0x1;
	s10 =	sld [smem:$0x3FB8]  }
0x3d: {  	_ =	shalt  }
0x3e: {  	_ =	shalt  }
0x3f: {  	_ =	shalt  }
0x40: {  	_ =	shalt  }
0x41: {  	_ =	shalt  }
0x42: {  	_ =	shalt  }
0x43: {  	_ =	shalt  }
0x44: {  	_ =	shalt  }
0x45: {  	_ =	shalt  }
0x46: {  	_ =	shalt  }
0x47: {  	_ =	shalt  }
0x48: {  	_ =	shalt  }
0x49: {  	_ =	shalt  }
0x4a: {  	_ =	shalt  }
0x4b: {  	_ =	shalt  }
0x4c: {  	_ =	shalt  }
0x4d: {  	_ =	shalt  }
0x4e: {  	_ =	shalt  }
0x4f: {  	_ =	shalt  }
0x50: {  	_ =	shalt  }
0x51: {  	_ =	shalt  }
0x52: {  	_ =	shalt  }
0x53: {  	_ =	shalt  }
0x54: {  	_ =	shalt  }
0x55: {  	_ =	shalt  }
0x56: {  	_ =	shalt  }
0x57: {  	_ =	shalt  }
0x58: {  	_ =	shalt  }
0x59: {  	_ =	shalt  }
0x5a: {  	_ =	shalt  }
0x5b: {  	_ =	shalt  }
0x5c: {  	_ =	shalt  }
0x5d: {  	_ =	shalt  }
0x5e: {  	_ =	shalt  }
0x5f: {  	_ =	shalt  }
0x60: {  	_ =	shalt  }
0x61: {  	_ =	shalt  }
0x62: {  	_ =	shalt  }
0x63: {  	_ =	shalt  }
0x64: {  	_ =	shalt  }
0x65: {  	_ =	shalt  }
0x66: {  	_ =	shalt  }
0x67: {  	_ =	shalt  }
0x68: {  	_ =	shalt  }
0x69: {  	_ =	shalt  }
0x6a: {  	_ =	shalt  }
0x6b: {  	_ =	shalt  }
0x6c: {  	_ =	shalt  }
0x6d: {  	_ =	shalt  }
0x6e: {  	_ =	shalt  }
0x6f: {  	_ =	shalt  }
0x70: {  	_ =	shalt  }
0x71: {  	_ =	shalt  }
0x72: {  	_ =	shalt  }
0x73: {  	_ =	shalt  }
0x74: {  	_ =	shalt  }
0x75: {  	_ =	shalt  }
0x76: {  	_ =	shalt  }
0x77: {  	_ =	shalt  }
0x78: {  	_ =	shalt  }
0x79: {  	_ =	shalt  }
0x7a: {  	_ =	shalt  }
0x7b: {  	_ =	shalt  }
0x7c: {  	_ =	shalt  }
0x7d: {  	_ =	shalt  }
0x7e: {  	_ =	shalt  }
0x7f: {  	_ =	shalt  }
0x80: {  	_ =	shalt  }
0x81: {  	_ =	shalt  }
0x82: {  	_ =	shalt  }
0x83: {  	_ =	shalt  }
0x84: {  	_ =	shalt  }
0x85: {  	_ =	shalt  }
0x86: {  	_ =	shalt  }
0x87: {  	_ =	shalt  }
.Lfunc_end0:
.L_simem_size_0:
called_computation_lowered:
.L_overlay_start_0:
0x88: {  	s2 =	sld [smem:$0x3FD9]  }
0x89: {  	s3 =	sld [smem:$0x3FFE];
	_ =	sdelay $0x1  }
0x8a: {  	s1 =	srdreg.scid  }
0x8b: {  	s0 =	sand.u32 $0x1, s1  }
0x8c: {  	s17 =	sshll.u32 s0, $0xA;
	s2 =	sadd.s32 s3, s2  }
0x8d: {  	s2 =	sadd.s32 s2, s17  }
0x8e: {  	[smem:$0x3FC4] =	sst s2  }
0x8f: {  	_ = 	snop  }
0x90: {  	s2 =	sld [smem:$0x3FD0];
	(tm) =	ssettm $0x1  }
0x91: {  	s18 =	sld [smem:$0x3FFB];
	_ =	sdelay $0x3  }
0x92: {  	_ =	strace s18  }
0x93: {  	s3 =	sld [smem:$0x3FFC];
	_ =	sdelay $0x3  }
0x94: {  	_ =	strace s3  }
0x95: {  	s3 =	sld [smem:$0x3FFD];
	_ =	sdelay $0x3  }
0x96: {  	_ =	strace s3  }
0x97: {  	_ =	strace $0x8FFFFFFF  }
0x98: {  	s19 =	sld [smem:$0x3FDB];
	_ =	sdelay $0x1  }
0x99: {  	s4 =	simm.s32 $_scs_section_size  }
0x9a: {  	s5 =	simm.s32 $_size__tile_overlayer_lowered;
	s6 =	simm.s32 $_tile_overlayer_lowered  }
0x9b: {  	s22 =	simm.s32 $0x1BFF;
	s21 =	sshll.u32 s6, $0x1;
	s3 =	sadd.s32 s4, s19  }
0x9c: {  	s7 =	simm.s32 $0x0;
	s20 =	sshll.u32 s5, $0x1;
	s5 =	sadd.s32 s21, s3  }
0x9d: {  	[timem:s7], [sflag:s22] =	dma.local [hbm:s5], s20  }
0x9e: {  	_ =	swait.ge [sflag:s22], s20  }
0x9f: {  	s4 =	ssub.s32 $0x0, s20;
	[sflag:s22] =	ssyncset.done $0x0  }
0xa0: {  	[sflag:s22] =	ssyncadd.s32 s4;
	_ =	sdelay $0x1  }
0xa1: {  	s23 =	simm.s32 $0x1B8B  }
0xa2: {  	_ =	swait.ge [sflag:s23], $0x1  }
0xa3: {  	[sflag:s23] =	ssyncset.done $0x0  }
0xa4: {  	s25 =	simm.s32 $0x1B8E;
	s24 =	sld [smem:$0x3FFE];
	[sflag:s23] =	ssyncadd.s32 $0xFFFFFFFF  }
0xa5: {  	s26 =	simm.s32 $execute0_lowered;
	[smem:$0x3FD2] =	sst s25  }
0xa6: {  	s5 =	sshll.u32 s26, $0x1;
	_ =	strace $0x80000046;
	[dreg:$0x1] =	wrdreg $0xFFFFFFFF  }
0xa7: {  	s28 =	simm.s32 $_size_execute0_lowered;
	s3 =	sadd.s32 s3, s5;
	[dreg:$0x0] =	wrdreg $0x0  }
0xa8: {  	s5 =	sshll.u32 s28, $0x1;
	[dreg:$0x2] =	wrdreg s3  }
0xa9: {  	[dreg:$0x3] =	wrdreg s5  }
0xaa: {  	[dreg:$0x4] =	wrdreg $0xC0  }
0xab: {  	_ =	task [dreg:s7], $0x5FFFF  }
0xac: {  	[dreg:$0x1] =	wrdreg $0xFFFFFFFF  }
0xad: {  	[dreg:$0x0] =	wrdreg $0x60  }
0xae: {  	[dreg:$0x2] =	wrdreg s2  }
0xaf: {  	[dreg:$0x3] =	wrdreg s24  }
0xb0: {  	[dreg:$0x4] =	wrdreg $0x145400  }
0xb1: {  	[dreg:$0x5] =	wrdreg $0xA9000  }
0xb2: {  	[dreg:$0x6] =	wrdreg $0x9  }
0xb3: {  	_ =	task.clear_ibuf [dreg:s7], $0x7FFFF;
	_ =	strace $0x90000046  }
0xb4: {  	s29 =	simm.s32 $0x9;
	_ =	strace $0x80000048  }
0xb5: {  	_ =	swait.ge [sflag:s29], $0x1  }
0xb6: {  	[sflag:s29] =	ssyncadd.s32 $0xFFFFFFFF  }
0xb7: {  	_ =	strace $0x90000048  }
0xb8: {  	_ =	sfence  }
0xb9: {  	s30 =	sld [smem:$0x0];
	_ =	sdelay $0x2  }
0xba: {  	s31 =	sshll.u32 s1, $0xD;
	s1 =	sshrl.u32 s1, $0x2  }
0xbb: {  	s3 =	sand.u32 $0x4000, s31;
	s1 =	sadd.s32 s1, s30  }
0xbc: {  	s0 =	sor.u32 s3, s0;
	s1 =	sshll.u32 s1, $0x11  }
0xbd: {  	s0 =	sor.u32 s1, s0  }
0xbe: {  	s0 =	sadd.s32 $0x8F2B, s0  }
0xbf: {  	[sflag:s0] =	ssyncadd.remote.s32 $0x1  }
0xc0: {  	_ =	sfence.sel $0xFFFF  }
0xc1: {  	[dreg:$0x0] =	wrdreg $0xFFFFFFFF;
	(pc) =	sbr.abs _section_cstart, $3  }
0xc2: {  	[dreg:$0x1] =	wrdreg $0xFFFFFFFF  }
0xc3: {  	_ =	task.clear_ibuf [dreg:s7], $0x2FFFF;
	_ =	strace $0x9FFFFFFF  }
0xc4: {  	(tm) =	ssettm $0x7FFFFFFF  }
0xc5: {  	_ =	shalt  }
tec
execute0_lowered:
.L_overlay_start_1:
0x0: {  	(tag) =	ssettag $0x1  }
0x1: {  	s1 =	rddreg [dreg:$0x0]  }
0x2: {  	s5 =	rddreg [dreg:$0x1]  }
0x3: {  	s2 =	rddreg [dreg:$0x2]  }
0x4: {  	s0 =	stileid.u32;
	s3 =	rddreg [dreg:$0x3];
	s6 =	simm.s32 $0x0  }
0x5: {  	s7 =	srdreg.scid;
	s17 =	simm.s32 $0x2;
	s19 =	simm.s32 $0x1  }
0x6: {  	s20 =	simm.s32 $0x8;
	s21 =	simm.s32 $0x10;
	s22 =	simm.s32 $0x7700  }
0x7: {  	s28 =	simm.s32 $0x40;
	s29 =	simm.s32 $0x0;
	s4 =	smul.u32 $0x4E80, s0  }
0x8: {  	[smem:$0x7FF] =	sst s6;
	s11 =	sand.u32 $0x1, s7;
	s13 =	smul.u32 $0xC800, s0  }
0x9: {  	s6 =	sadd.s32 $0xA00, s5;
	s7 =	sadd.s32 $0x4FC600, s5;
	s14 =	smul.u32 $0x6400, s0  }
0xa: {  	s8 =	sadd.s32 $0x14600, s5;
	s25 =	ssub.s32 $0x41, s0;
	s12 =	smul.u32 $0x4E800, s0  }
0xb: {  	s31 =	sshll.u32 s0, $0x6;
	_ =	strace $0x80000047;
	s10 =	ssub.s32 $0x2, s11  }
0xc: {  	s11 =	sshll.u32 s11, $0x6;
	s18 =	sor.u32 $0x1C02, s31;
	s23 =	sshrl.u32 s4, $0x3  }
0xd: {  	s24 =	sshrl.u32 s10, $0x1;
	s26 =	sshrl.u32 s13, $0x2;
	s15 =	sor.u32 s11, s14  }
0xe: {  	s9 =	sadd.s32 s23, s5;
	s5 =	ssub.s32 s10, s24;
	s10 =	sshrl.u32 s25, $0x4  }
0xf: {  	s14 =	sadd.s32 s26, s3;
	s30 =	sshrl.u32 s15, $0x3;
	s15 =	sadd.s32 s26, s2  }
0x10: {  	s23 =	simm.s32 $0x80;
	s24 =	simm.s32 $0x5700;
	s9 =	sadd.s32 $0xA800, s9  }
0x11: {  	s25 =	simm.s32 $0x4F00;
	s5 =	smax.u32 s5, $0x1;
	[dreg:$0x5] =	wrdreg s9  }
0x12: {  	v0 =	vimm.f32 $0.0e+00;
	s26 =	simm.s32 $0x4E80;
	s16 =	sadd.s32 s30, s1;
	[dreg:$0x6] =	wrdreg s5  }
.LBB2_1:
0x13: {  	s1 =	simm.s32 $0x0;
	s5 =	rddreg [dreg:$0x5]  }
0x14: {  	[tilespmem:s1], [sflag:$0x2] =	stream.linear.gather [hbm4b:s5+s1], $0x4E80, $0x38;
	[tilespmem:$0x1E180] =	vst v63  }
0x15: {  	_ =	swait.ge [sflag:s17], $0x4E80  }
0x16: {  	[sflag:s17] =	ssyncset.done $0x0  }
0x17: {  	s5 =	simm.s32 $0x100;
	s1 =	simm.s32 $0x0;
	[sflag:s17] =	ssyncadd.s32 $0xFFFFB180  }
.LBB2_2:
0x18: {  	p0 =	sne.s32 s5, $0xC700;
	[tilespmem:s1+$0x7730] =	vst v0;
	s9 =	smov.u32 s5;
	s5 =	sadd.s32 $0x100, s5  }
.Ltmp0:
0x19: {  	[tilespmem:s1+$0x7720] =	vst v0;
	(pc) =	sbr.rel @p0 .LBB2_2-.Ltmp0, $3  }
0x1a: {  	[tilespmem:s1+$0x7700] =	vst v0  }
0x1b: {  	[tilespmem:s1+$0x7710] =	vst v0;
	_ =	sdelay $0x1  }
0x1c: {  	s1 =	sshra.s32 s9, $0x2  }
0x1d: {  	p1 =	sne.s32 s10, $0x1  }
.Ltmp1:
0x1e: {  	_ = 	snop;
	(pc) =	sbr.rel @!p1 .LBB2_7-.Ltmp1, $4  }
0x1f: {  	[tilespmem:s1+$0x7730] =	vst v0  }
0x20: {  	[tilespmem:s1+$0x7720] =	vst v0  }
0x21: {  	[tilespmem:s1+$0x7700] =	vst v0;
	s5 =	sadd.s32 $0xFFFFFFFF, s10;
	p0 =	por $0x0, $0x0  }
0x22: {  	[tilespmem:s1+$0x7710] =	vst v0;
	s1 =	smov.u32 s15;
	s31 =	smov.u32 s14;
	s30 =	smov.u32 s16  }
0x23: {  	s1 =	sshrl.u32 s15, $0x3  }
0x24: {  	[spmem:s1@s20], [sflag:s18] =	dma.strided [hbm:s16@s21], $0x640, s19, $0x8   }
0x25: {  	p1 =	sne.s32 s5, $0x1;
	_ =	swait.ge [sflag:s17], $0x640  }
.Ltmp2:
0x26: {  	[sflag:s17] =	ssyncset.done $0x0;
	(pc) =	sbr.rel @!p1 .LBB2_5-.Ltmp2, $4  }
0x27: {  	s5 =	sadd.s32 $0xFFFFFFFF, s5;
	[sflag:s17] =	ssyncadd.s32 $0xFFFFF9C0  }
0x28: {  	[spmem:s14] =	stream.linear.scatter [tilespmem:s22], [sflag:$0x2], $0x3200, $0x38;
	[tilespmem:$0x1E180] =	vst v63  }
0x29: {  	s30 =	sadd.s32 $0xC800, s16;
	p0 =	por $0x1, $0x1;
	_ =	swait.ge [sflag:s17], $0x3200  }
0x2a: {  	s31 =	smov.u32 s14;
	s1 =	sadd.s32 $0x32000, s15;
	[sflag:s17] =	ssyncset.done $0x0  }
.LBB2_6:
0x2b: {  	s9 =	sshrl.u32 s1, $0x3;
	[sflag:s17] =	ssyncadd.s32 $0xFFFFCE00;
	s31 =	sadd.s32 $0x32000, s31  }
0x2c: {  	[spmem:s9@s20], [sflag:s18] =	dma.strided [hbm:s30@s21], $0x640, s19, $0x8   }
0x2d: {  	p1 =	sne.s32 s5, $0x1;
	s5 =	sadd.s32 $0xFFFFFFFF, s5;
	_ =	swait.ge [sflag:s17], $0x640  }
.Ltmp3:
0x2e: {  	[sflag:s17] =	ssyncset.done $0x0;
	(pc) =	sbr.rel @p1 .LBB2_6-.Ltmp3, $4  }
0x2f: {  	[sflag:s17] =	ssyncadd.s32 $0xFFFFF9C0  }
0x30: {  	[spmem:s31] =	stream.linear.scatter [tilespmem:s22], [sflag:$0x2], $0x3200, $0x38;
	[tilespmem:$0x1E180] =	vst v63  }
0x31: {  	_ =	swait.ge [sflag:s17], $0x3200  }
0x32: {  	s1 =	sadd.s32 $0x32000, s1;
	s30 =	sadd.s32 $0xC800, s30;
	[sflag:s17] =	ssyncset.done $0x0  }
.LBB2_7:
0x33: {  	s1 =	sshrl.u32 s1, $0x3;
	[sflag:s17] =	ssyncadd.s32 @p0 $0xFFFFCE00  }
0x34: {  	[spmem:s1@s20], [sflag:s18] =	dma.strided [hbm:s30@s21], $0x640, s19, $0x8   }
0x35: {  	_ =	swait.ge [sflag:s17], $0x640  }
0x36: {  	s5 =	smov.u32 s14;
	s1 =	sadd.s32 @p0 $0x32000, s31;
	[sflag:s17] =	ssyncset.done $0x0  }
0x37: {  	s5 =	smov.u32 @p0 s1;
	[sflag:s17] =	ssyncadd.s32 $0xFFFFF9C0  }
0x38: {  	[spmem:s5] =	stream.linear.scatter [tilespmem:s22], [sflag:$0x2], $0x3200, $0x38;
	[tilespmem:$0x1E180] =	vst v63  }
0x39: {  	_ =	swait.ge [sflag:s17], $0x3200  }
0x3a: {  	[sflag:s17] =	ssyncset.done $0x0  }
0x3b: {  	[sflag:s17] =	ssyncadd.s32 $0xFFFFCE00  }
0x3c: {  	s30 =	simm.s32 $0x0;
	s31 =	simm.s32 $0x0;
	[bflag:$0x0] =	sbarrier.arrive $0xFFFF  }
.LBB2_8:
0x3d: {  	s1 =	sshll.u32 s31, $0x7;
	s5 =	sshll.u32 s31, $0xB  }
0x3e: {  	[tilespmem:s24], [sflag:$0x1] =	stream.indirect.gather [spmem:s2], $0x40, s1, s23, $0xb8;
	[tilespmem:$0x1E180] =	vst v63  }
0x3f: {  	s5 =	sadd.s32 s12, s5  }
0x40: {  	s5 =	sshrl.u32 s5, $0x3  }
0x41: {  	s5 =	sadd.s32 s7, s5  }
0x42: {  	[tilespmem:s25], [sflag:$0x2] =	stream.linear.gather [hbm4b:s5+s30], $0x800, $0x38;
	[tilespmem:$0x1E180] =	vst v63  }
0x43: {  	s1 =	sadd.s32 s4, s1;
	_ =	swait.ge [sflag:s17], $0x800  }
0x44: {  	s1 =	sshrl.u32 s1, $0x3;
	[sflag:s17] =	ssyncset.done $0x0  }
0x45: {  	s1 =	sadd.s32 s6, s1;
	[sflag:s17] =	ssyncadd.s32 $0xFFFFF800  }
0x46: {  	[tilespmem:s26], [sflag:$0x2] =	stream.linear.gather [hbm4b:s1+s30], $0x80, $0x38;
	[tilespmem:$0x1E180] =	vst v63  }
0x47: {  	_ =	swait.ge [sflag:s17], $0x80  }
0x48: {  	[sflag:s17] =	ssyncset.done $0x0  }
0x49: {  	[sflag:s17] =	ssyncadd.s32 $0xFFFFFF80  }
0x4a: {  	_ =	swait.ge [sflag:s19], $0x2000  }
0x4b: {  	[sflag:s19] =	ssyncset.done $0x0  }
0x4c: {  	s1 =	simm.s32 $0x5720;
	[sflag:s19] =	ssyncadd.s32 $0xFFFFE000  }
0x4d: {  	v1 =	vld [tilespmem:s1+$0xFFFFFFF0]  }
0x4e: {  	v3 =	vld [tilespmem:s1+$0x10]  }
0x4f: {  	s13 =	simm.s32 $0x0;
	v2 =	vld [tilespmem:s1+$0xFFFFFFE0]  }
0x50: {  	v5 =	vld [tilespmem:s13+$0x4F00]  }
0x51: {  	v6 =	vld [tilespmem:s1+$0x0];
	_ =	sdelay $0x3  }
0x52: {  	v2 =	vmul.f32 v2, v5;
	v4 =	vmul.f32 v3, v5  }
0x53: {  	s9 =	simm.s32 $0x5720;
	s5 =	simm.s32 $0x40;
	v3 =	vmul.f32 v1, v5;
	v1 =	vmul.f32 v6, v5  }
.LBB2_9:
0x54: {  	p0 =	sne.s32 s5, $0x1FC0  }
0x55: {  	[tilespmem:s1+$0x10] =	vst v4;
	s9 =	sadd.s32 $0x40, s9;
	s13 =	smov.u32 s5;
	s5 =	sadd.s32 $0x40, s5  }
0x56: {  	v5 =	vld [tilespmem:s9+$0xFFFFFFF0];
	[tilespmem:s1+$0xFFFFFFE0] =	vst v2  }
0x57: {  	v4 =	vld [tilespmem:s9+$0x10];
	[tilespmem:s1+$0xFFFFFFF0] =	vst v3  }
0x58: {  	s13 =	sshra.s32 s13, $0x2;
	v2 =	vld [tilespmem:s9+$0xFFFFFFE0];
	[tilespmem:s1+$0x0] =	vst v1;
	s1 =	smov.u32 s9  }
0x59: {  	v1 =	vld [tilespmem:s13+$0x4F00]  }
0x5a: {  	v6 =	vld [tilespmem:s9+$0x0]  }
.Ltmp4:
0x5b: {  	(pc) =	sbr.rel @p0 .LBB2_9-.Ltmp4, $3  }
0x5c: {  	_ =	sdelay $0x1  }
0x5d: {  	v2 =	vmul.f32 v2, v1;
	v4 =	vmul.f32 v4, v1  }
0x5e: {  	v3 =	vmul.f32 v5, v1;
	v1 =	vmul.f32 v6, v1  }
0x5f: {  	[tilespmem:s1+$0x10] =	vst v4  }
0x60: {  	[tilespmem:s1+$0xFFFFFFE0] =	vst v2;
	s31 =	sadd.s32 $0x1, s31  }
0x61: {  	[tilespmem:s1+$0xFFFFFFF0] =	vst v3;
	p0 =	sne.s32 s31, $0x9D  }
.Ltmp5:
0x62: {  	[tilespmem:s1+$0x0] =	vst v1;
	(pc) =	sbr.rel @p0 .LBB2_8-.Ltmp5, $4  }
0x63: {  	[spmem:s3] =	stream.indirect.scatter.add.f32 [tilespmem:s24], [sflag:$0x2], $0x40, s26, s23, $0xb8;
	[tilespmem:$0x1E180] =	vst v63  }
0x64: {  	_ =	swait.ge [sflag:s17], $0x2000  }
0x65: {  	[sflag:s17] =	ssyncset.done $0x0  }
0x66: {  	[sflag:s17] =	ssyncadd.s32 $0xFFFFE000  }
0x67: {  	[bflag:$0x0] =	sbarrier.arrive $0xFFFF;
	s30 =	simm.s32 $0x0  }
.LBB2_12:
0x68: {  	s1 =	sshll.u32 s30, $0x4  }
0x69: {  	s31 =	sor.u32 s0, s1  }
0x6a: {  	s1 =	smul.u32 $0xC800, s31;
	_ =	sdelay $0x1  }
0x6b: {  	s1 =	sshra.s32 s1, $0x2  }
0x6c: {  	s1 =	sadd.s32 s1, s3  }
0x6d: {  	[tilespmem:s22], [sflag:$0x2] =	stream.linear.gather [spmem:s1], $0x3200, $0x38;
	[tilespmem:$0x1E180] =	vst v63  }
0x6e: {  	_ =	swait.ge [sflag:s17], $0x3200  }
0x6f: {  	[sflag:s17] =	ssyncset.done $0x0  }
0x70: {  	s1 =	simm.s32 $0x0;
	[sflag:s17] =	ssyncadd.s32 $0xFFFFCE00  }
0x71: {  	v3 =	vld [tilespmem:s1+$0x7700]  }
0x72: {  	v2 =	vld [tilespmem:s1+$0x7710]  }
0x73: {  	s5 =	simm.s32 $0x100;
	v1 =	vld [tilespmem:s1+$0x7720]  }
.LBB2_13:
0x74: {  	p0 =	sne.s32 s5, $0xC700;
	v4 =	vld [tilespmem:s1+$0x7730];
	_ =	sdelay $0x1  }
.Ltmp6:
0x75: {  	v3 =	vmax.f32 v3, $0.0e+00;
	(pc) =	sbr.rel @p0 .LBB2_13-.Ltmp6, $4  }
0x76: {  	s9 =	sshra.s32 s5, $0x2;
	[tilespmem:s1+$0x7700] =	vst v3;
	v2 =	vmax.f32 v2, $0.0e+00  }
0x77: {  	v3 =	vld [tilespmem:s9+$0x7700];
	[tilespmem:s1+$0x7710] =	vst v2;
	v1 =	vmax.f32 v1, $0.0e+00  }
0x78: {  	v2 =	vld [tilespmem:s9+$0x7710];
	[tilespmem:s1+$0x7720] =	vst v1;
	v4 =	vmax.f32 v4, $0.0e+00  }
0x79: {  	s5 =	sadd.s32 $0x100, s5;
	v1 =	vld [tilespmem:s9+$0x7720];
	[tilespmem:s1+$0x7730] =	vst v4;
	s1 =	smov.u32 s9  }
0x7a: {  	v4 =	vld [tilespmem:s1+$0x7730];
	_ =	sdelay $0x1  }
0x7b: {  	s5 =	smul.u32 $0x6400, s31;
	v3 =	vmax.f32 v3, $0.0e+00  }
0x7c: {  	[tilespmem:s1+$0x7700] =	vst v3;
	v2 =	vmax.f32 v2, $0.0e+00  }
0x7d: {  	s30 =	sadd.s32 $0x1, s30;
	s5 =	sor.u32 s11, s5;
	[tilespmem:s1+$0x7710] =	vst v2;
	v1 =	vmax.f32 v1, $0.0e+00  }
0x7e: {  	p0 =	sne.s32 s30, s10;
	s5 =	sshrl.u32 s5, $0x3;
	[tilespmem:s1+$0x7720] =	vst v1;
	v1 =	vmax.f32 v4, $0.0e+00  }
.Ltmp7:
0x7f: {  	s31 =	sadd.s32 s8, s5;
	[tilespmem:s1+$0x7730] =	vst v1;
	(pc) =	sbr.rel @p0 .LBB2_12-.Ltmp7, $4  }
0x80: {  	[hbm4b:s31+s28] =	stream.strided.scatter [tilespmem:s22], [sflag:$0x2], $0x3200, s23, s28, $0x38;
	[tilespmem:$0x1E180] =	vst v63  }
0x81: {  	_ =	swait.ge [sflag:s17], $0x3200  }
0x82: {  	[sflag:s17] =	ssyncset.done $0x0  }
0x83: {  	[sflag:s17] =	ssyncadd.s32 $0xFFFFCE00  }
0x84: {  	s29 =	sadd.s32 $0x1, s29;
	s1 =	rddreg [dreg:$0x6]  }
0x85: {  	p0 =	sne.s32 s29, s1  }
.Ltmp8:
0x86: {  	_ = 	snop;
	(pc) =	sbr.rel @p0 .LBB2_1-.Ltmp8, $4  }
.Ltmp9:
0x87: {  	_ = 	snop;
	(pc) =	sbr.rel @!p0 .LBB2_16-.Ltmp9, $4  }
0x88: {  	_ = 	snop  }
0x89: {  	_ = 	snop  }
0x8a: {  	_ = 	snop  }
0x8b: {  	_ = 	snop  }
.LBB2_5:
.Ltmp10:
0x8c: {  	(pc) =	sbr.rel .LBB2_7-.Ltmp10, $2  }
0x8d: {  	_ =	sdelay $0x2  }
0x8e: {  	s31 =	smov.u32 s14  }
.LBB2_16:
0x8f: {  	_ =	sfence.sel $0x180000  }
0x90: {  	[bflag:$0x0] =	sbarrier.arrive $0xFFFF  }
0x91: {  	_ =	strace $0x90000047  }
0x92: {  	[bflag:$0x2] =	sbarrier.arrive $0xFFFF  }
0x93: {  	p0 =	sne.s32 s0, $0x0;
	s0 =	rddreg [dreg:$0x4]  }
0x94: {  	s0 =	sadd.s32 @!p0 $0x100000, s0  }
0x95: {  	[sflag:s0] =	ssyncadd.tile.s32 @!p0 $0x1;
	_ =	shalt  }
.Lfunc_end2:
_tile_overlayer_lowered:
.L_overlay_start_2:
0x96: {  	(tag) =	ssettag $0x2  }
0x97: {  	s0 =	rddreg [dreg:$0x0];
	s2 =	stileid.u32  }
0x98: {  	s1 =	rddreg [dreg:$0x1];
	p0 =	sne.s32 s2, $0x0  }
0x99: {  	s3 =	rddreg [dreg:$0x2];
	[bflag:$0x3] =	sbarrier.arrive $0xFFFF;
	s2 =	simm.s32 @!p0 $0x1C02  }
0x9a: {  	[timem:s3], [sflag:s2] =	dma.local @!p0 [hbm:s0], s1  }
0x9b: {  	s0 =	simm.s32 @!p0 $0x2  }
0x9c: {  	_ =	swait.ge @!p0 [sflag:s0], s1  }
0x9d: {  	s1 =	ssub.s32 @!p0 $0x0, s1;
	[sflag:s0] =	ssyncset.done @!p0 $0x0  }
0x9e: {  	[sflag:s0] =	ssyncadd.s32 @!p0 s1  }
0x9f: {  	[bflag:$0x3] =	sbarrier.arrive $0xFFFF  }
0xa0: {  	_ =	shalt  }

</sc_bundles>
